<compile_context>
chip_gen: v7x
topology: tpu7x:2x2x1
jax: 0.10.2.dev20260603
libtpu: 0.0.44.dev20260713+nightly
codegen_flags: <defaults>
</compile_context>

<pallas_src>
import jax
import jax.numpy as jnp
import numpy as np
from jax import lax
from jax.experimental import pallas as pl
from jax.experimental.pallas import tpu as pltpu

N, E, ND, ED, HD, L = 256, 4096, 256, 16, 256, 6
ECHUNK = 512
NCHUNKS = E // ECHUNK
BI = 8

_OFF_IDX = np.nonzero(~np.eye(N, dtype=bool).reshape(-1))[0]

F32 = jnp.float32
BF16 = jnp.bfloat16


def _dotb(a, b, dn=None):
    a = a.astype(BF16)
    b = b.astype(BF16)
    if dn is None:
        return lax.dot(a, b, preferred_element_type=F32)
    return lax.dot_general(a, b, dimension_numbers=dn,
                           preferred_element_type=F32)


def _gnn_kernel(
    idx_smem_ref,
    x0_ref, ef_ref, src_ref,
    node_W_ref, node_b_ref, edge_W_ref, edge_b_ref,
    msg_W1_ref, msg_b1_ref, msg_W2_ref, msg_b2_ref,
    upd_W1_ref, upd_b1_ref, upd_W2_ref, upd_b2_ref,
    ln_g_ref, ln_b_ref,
    glob_W_ref, glob_b_ref,
    move_W1_ref, move_b1_ref, move_W2_ref, move_b2_ref,
    shoot_W1_ref, shoot_b1_ref, shoot_W2_ref, shoot_b2_ref,
    tgt_W1_ref, tgt_b1_ref, tgt_W2_ref, tgt_b2_ref,
    mv_ref, probs_ref, sv_ref, scores_ref, x_ref,
    oh_src_ref, m_ref, agg_ref, a_ref, b_ref,
):
    def build_oh(c, _):
        e0 = c * ECHUNK
        iota_n = lax.broadcasted_iota(jnp.int32, (ECHUNK, N), 1)
        s = src_ref[pl.ds(e0, ECHUNK), :]
        oh_src_ref[pl.ds(e0, ECHUNK), :] = (s == iota_n).astype(F32)
        return 0

    lax.fori_loop(0, NCHUNKS, build_oh, 0, unroll=1)

    x = x0_ref[...]

    for i in range(L):
        W1a = msg_W1_ref[i, :HD, :]
        W1b = msg_W1_ref[i, HD:, :]
        h = _dotb(x, node_W_ref[i]) + node_b_ref[i]
        hW1 = _dotb(h, W1a)
        b1 = msg_b1_ref[i]
        b2 = msg_b2_ref[i]
        W2 = msg_W2_ref[i]

        def edge_chunk(c, _):
            e0 = c * ECHUNK
            oh_s = oh_src_ref[pl.ds(e0, ECHUNK), :]
            e = _dotb(ef_ref[pl.ds(e0, ECHUNK), :], edge_W_ref[i]) + edge_b_ref[i]
            eW1 = _dotb(e, W1b)
            gath = lax.dot(oh_s, hW1, preferred_element_type=F32,
                           precision=lax.Precision.HIGHEST)
            pre = gath + eW1 + b1
            s = jnp.maximum(pre, 0.0)
            m_ref[pl.ds(e0, ECHUNK), :] = _dotb(s, W2) + b2
            return 0

        lax.fori_loop(0, NCHUNKS, edge_chunk, 0, unroll=1)

        agg_ref[...] = jnp.zeros((N, HD), F32)

        def scat(e, _):
            d = idx_smem_ref[1, e]
            agg_ref[pl.ds(d, 1), :] = agg_ref[pl.ds(d, 1), :] + m_ref[pl.ds(e, 1), :]
            return 0

        lax.fori_loop(0, E, scat, 0, unroll=8)
        agg = agg_ref[...]

        up = (_dotb(x, upd_W1_ref[i, :ND, :]) + _dotb(agg, upd_W1_ref[i, ND:, :])
              + upd_b1_ref[i])
        x2 = _dotb(jnp.maximum(up, 0.0), upd_W2_ref[i]) + upd_b2_ref[i]
        mu = jnp.mean(x2, axis=-1, keepdims=True)
        var = jnp.mean((x2 - mu) ** 2, axis=-1, keepdims=True)
        x2 = (x2 - mu) / jnp.sqrt(var + 1e-5) * ln_g_ref[i] + ln_b_ref[i]
        x = jnp.maximum(x2 + x, 0.0)

    x_ref[...] = x

    gvec = (_dotb(jnp.mean(x, axis=0, keepdims=True), glob_W_ref[...])
            + glob_b_ref[...])

    mv_pre = jnp.maximum(
        _dotb(x, move_W1_ref[:HD, :])
        + (_dotb(gvec, move_W1_ref[HD:, :]) + move_b1_ref[...]), 0.0)
    mv = _dotb(mv_pre, move_W2_ref[...]) + move_b2_ref[...]
    mv_ref[...] = mv
    mmax = jnp.max(mv, axis=-1, keepdims=True)
    ex = jnp.exp(mv - mmax)
    probs_ref[...] = ex / jnp.sum(ex, axis=-1, keepdims=True)

    sv_pre = jnp.maximum(
        _dotb(x, shoot_W1_ref[:HD, :])
        + (_dotb(gvec, shoot_W1_ref[HD:, :]) + shoot_b1_ref[...]), 0.0)
    sv = _dotb(sv_pre, shoot_W2_ref[...]) + shoot_b2_ref[...]
    sv_ref[...] = jnp.clip(sv, -10.0, 10.0)

    a_ref[...] = _dotb(x, tgt_W1_ref[:HD, :]) + (
        _dotb(gvec, tgt_W1_ref[2 * HD:, :]) + tgt_b1_ref[...])
    b_ref[...] = _dotb(x, tgt_W1_ref[HD:2 * HD, :])
    w2row = tgt_W2_ref[...].astype(BF16).astype(F32)
    tb2 = tgt_b2_ref[0, 0]

    def score_blk(c, _):
        i0 = c * BI
        a_blk = a_ref[pl.ds(i0, BI), :]
        hid = jnp.maximum(a_blk[:, None, :] + b_ref[...][None, :, :], 0.0)
        hid = hid.astype(BF16).astype(F32)
        sc = jnp.sum(hid * w2row[None, :, :], axis=-1)
        scores_ref[pl.ds(i0, BI), :] = jnp.clip(sc + tb2, -10.0, 10.0)
        return 0

    lax.fori_loop(0, N // BI, score_blk, 0, unroll=1)


@jax.jit
def kernel(node_features, edge_indices, edge_features, params):
    p = params
    idx = edge_indices.astype(jnp.int32)
    src = idx[0].reshape(E, 1)

    def b2d(name):
        return p[name].reshape(L, 1, -1)

    out_shapes = (
        jax.ShapeDtypeStruct((N, 4), F32),
        jax.ShapeDtypeStruct((N, 4), F32),
        jax.ShapeDtypeStruct((N, 1), F32),
        jax.ShapeDtypeStruct((N, N), F32),
        jax.ShapeDtypeStruct((N, HD), F32),
    )
    scratch = [
        pltpu.VMEM((E, N), F32),
        pltpu.VMEM((E, HD), F32),
        pltpu.VMEM((N, HD), F32),
        pltpu.VMEM((N, HD), F32),
        pltpu.VMEM((N, HD), F32),
    ]
    in_specs = [pl.BlockSpec(memory_space=pltpu.SMEM)] + [
        pl.BlockSpec(memory_space=pltpu.ANY if False else pltpu.VMEM)
    ] * 31

    mv, probs, sv, scores, x = pl.pallas_call(
        _gnn_kernel,
        out_shape=out_shapes,
        scratch_shapes=scratch,
        in_specs=in_specs,
    )(
        idx,
        node_features, edge_features, src,
        p["node_W"], b2d("node_b"), p["edge_W"], b2d("edge_b"),
        p["msg_W1"], b2d("msg_b1"), p["msg_W2"], b2d("msg_b2"),
        p["upd_W1"], b2d("upd_b1"), p["upd_W2"], b2d("upd_b2"),
        b2d("ln_g"), b2d("ln_b"),
        p["glob_W"], p["glob_b"].reshape(1, HD),
        p["move_W1"], p["move_b1"].reshape(1, HD),
        p["move_W2"], p["move_b2"].reshape(1, 4),
        p["shoot_W1"], p["shoot_b1"].reshape(1, HD),
        p["shoot_W2"], p["shoot_b2"].reshape(1, 1),
        p["tgt_W1"], p["tgt_b1"].reshape(1, HD),
        p["tgt_W2"].reshape(1, HD), p["tgt_b2"].reshape(1, 1),
    )

    ts = scores.reshape(-1)[_OFF_IDX]
    return (mv, probs, sv.reshape(N), ts, x)

# --- scband reference (transcript-rebuilt; emitter-appended) ---
"""Pipeline reference for scband-tactical-gnn-19078244729008 (READ-ONLY COPY).

The authoritative reference and input builder live on the scoring server;
editing this copy changes nothing except your own understanding.
"""

import jax, jax.numpy as jnp
import numpy as np

N, E, ND, ED, HD, L = 256, 4096, 256, 16, 256, 6


def setup_inputs(seed: int = 0):
    key = jax.random.key(seed)
    ks = jax.random.split(key, 48)
    def w(i, shape):
        return jax.random.normal(ks[i], shape, jnp.float32) * 0.05
    params = {
        "node_W": w(3, (L, ND, HD)), "node_b": jnp.zeros((L, HD), jnp.float32),
        "edge_W": w(4, (L, ED, HD)), "edge_b": jnp.zeros((L, HD), jnp.float32),
        "msg_W1": w(5, (L, 2 * HD, HD)), "msg_b1": jnp.zeros((L, HD), jnp.float32),
        "msg_W2": w(6, (L, HD, HD)), "msg_b2": jnp.zeros((L, HD), jnp.float32),
        "upd_W1": w(7, (L, ND + HD, HD)), "upd_b1": jnp.zeros((L, HD), jnp.float32),
        "upd_W2": w(8, (L, HD, HD)), "upd_b2": jnp.zeros((L, HD), jnp.float32),
        "ln_g": jnp.ones((L, HD), jnp.float32), "ln_b": jnp.zeros((L, HD), jnp.float32),
        "glob_W": w(9, (HD, HD)), "glob_b": jnp.zeros((HD,), jnp.float32),
        "move_W1": w(10, (2 * HD, HD)), "move_b1": jnp.zeros((HD,), jnp.float32),
        "move_W2": w(11, (HD, 4)), "move_b2": jnp.zeros((4,), jnp.float32),
        "shoot_W1": w(12, (2 * HD, HD)), "shoot_b1": jnp.zeros((HD,), jnp.float32),
        "shoot_W2": w(13, (HD, 1)), "shoot_b2": jnp.zeros((1,), jnp.float32),
        "tgt_W1": w(14, (3 * HD, HD)), "tgt_b1": jnp.zeros((HD,), jnp.float32),
        "tgt_W2": w(15, (HD, 1)), "tgt_b2": jnp.zeros((1,), jnp.float32),
    }
    node_features = jax.random.normal(ks[0], (N, ND), jnp.float32)
    edge_indices = jax.random.randint(ks[1], (2, E), 0, N, dtype=jnp.int32)
    edge_features = jax.random.normal(ks[2], (E, ED), jnp.float32)
    return {"node_features": node_features, "edge_indices": edge_indices,
            "edge_features": edge_features, "params": params}


def _forward(node_features, edge_features, p, src, dst):
    x = node_features
    n = x.shape[0]
    for i in range(L):
        res = x
        h = x @ p["node_W"][i] + p["node_b"][i]
        e = edge_features @ p["edge_W"][i] + p["edge_b"][i]
        m_in = jnp.concatenate([h[src], e], axis=-1)
        m = jax.nn.relu(m_in @ p["msg_W1"][i] + p["msg_b1"][i]) @ p["msg_W2"][i] + p["msg_b2"][i]
        agg = jnp.zeros_like(h).at[dst].add(m)
        up = jnp.concatenate([res, agg], axis=-1)
        x2 = jax.nn.relu(up @ p["upd_W1"][i] + p["upd_b1"][i]) @ p["upd_W2"][i] + p["upd_b2"][i]
        mu = x2.mean(-1, keepdims=True)
        var = ((x2 - mu) ** 2).mean(-1, keepdims=True)
        x2 = (x2 - mu) / jnp.sqrt(var + 1e-5) * p["ln_g"][i] + p["ln_b"][i]
        if res.shape[-1] == x2.shape[-1]:
            x = jax.nn.relu(x2 + res)
        else:
            x = jax.nn.relu(x2)
    gvec = x.mean(0) @ p["glob_W"] + p["glob_b"]
    g = jnp.broadcast_to(gvec[None, :], (n, HD))
    xg = jnp.concatenate([x, g], axis=-1)
    mv = jax.nn.relu(xg @ p["move_W1"] + p["move_b1"]) @ p["move_W2"] + p["move_b2"]
    sv = (jax.nn.relu(xg @ p["shoot_W1"] + p["shoot_b1"]) @ p["shoot_W2"] + p["shoot_b2"])[:, 0]
    Wa = p["tgt_W1"][:HD]
    Wb = p["tgt_W1"][HD:2 * HD]
    Wc = p["tgt_W1"][2 * HD:]
    A = x @ Wa + g @ Wc + p["tgt_b1"]
    B = x @ Wb
    hid = jax.nn.relu(A[:, None, :] + B[None, :, :])
    scores = (hid @ p["tgt_W2"])[..., 0] + p["tgt_b2"][0]
    off_idx = np.nonzero(~np.eye(n, dtype=bool).reshape(-1))[0]
    ts = jnp.clip(scores.reshape(-1)[off_idx], -10.0, 10.0)
    return (mv, jax.nn.softmax(mv, axis=-1), jnp.clip(sv, -10.0, 10.0), ts, x)


def reference(node_features, edge_indices, edge_features, params):
    return _forward(node_features, edge_features, params, edge_indices[0], edge_indices[1])

if __name__ == "__main__":
    import jax
    _d = setup_inputs()
    print(jax.jit(kernel)(*tuple(_d.values())))

</pallas_src>

<mosaic_0001>
module attributes {stable_mosaic.version = 14 : i64} {
  func.func @_gnn_kernel(%arg0: memref<2x4096xi32, #tpu.memory_space<smem>>, %arg1: memref<256x256xf32, #tpu.memory_space<vmem>>, %arg2: memref<4096x16xf32, #tpu.memory_space<vmem>>, %arg3: memref<4096x1xi32, #tpu.memory_space<vmem>>, %arg4: memref<6x256x256xf32, #tpu.memory_space<vmem>>, %arg5: memref<6x1x256xf32, #tpu.memory_space<vmem>>, %arg6: memref<6x16x256xf32, #tpu.memory_space<vmem>>, %arg7: memref<6x1x256xf32, #tpu.memory_space<vmem>>, %arg8: memref<6x512x256xf32, #tpu.memory_space<vmem>>, %arg9: memref<6x1x256xf32, #tpu.memory_space<vmem>>, %arg10: memref<6x256x256xf32, #tpu.memory_space<vmem>>, %arg11: memref<6x1x256xf32, #tpu.memory_space<vmem>>, %arg12: memref<6x512x256xf32, #tpu.memory_space<vmem>>, %arg13: memref<6x1x256xf32, #tpu.memory_space<vmem>>, %arg14: memref<6x256x256xf32, #tpu.memory_space<vmem>>, %arg15: memref<6x1x256xf32, #tpu.memory_space<vmem>>, %arg16: memref<6x1x256xf32, #tpu.memory_space<vmem>>, %arg17: memref<6x1x256xf32, #tpu.memory_space<vmem>>, %arg18: memref<256x256xf32, #tpu.memory_space<vmem>>, %arg19: memref<1x256xf32, #tpu.memory_space<vmem>>, %arg20: memref<512x256xf32, #tpu.memory_space<vmem>>, %arg21: memref<1x256xf32, #tpu.memory_space<vmem>>, %arg22: memref<256x4xf32, #tpu.memory_space<vmem>>, %arg23: memref<1x4xf32, #tpu.memory_space<vmem>>, %arg24: memref<512x256xf32, #tpu.memory_space<vmem>>, %arg25: memref<1x256xf32, #tpu.memory_space<vmem>>, %arg26: memref<256x1xf32, #tpu.memory_space<vmem>>, %arg27: memref<1x1xf32, #tpu.memory_space<vmem>>, %arg28: memref<768x256xf32, #tpu.memory_space<vmem>>, %arg29: memref<1x256xf32, #tpu.memory_space<vmem>>, %arg30: memref<1x256xf32, #tpu.memory_space<vmem>>, %arg31: memref<1x1xf32, #tpu.memory_space<vmem>>, %arg32: memref<256x4xf32, #tpu.memory_space<vmem>>, %arg33: memref<256x4xf32, #tpu.memory_space<vmem>>, %arg34: memref<256x1xf32, #tpu.memory_space<vmem>>, %arg35: memref<256x256xf32, #tpu.memory_space<vmem>>, %arg36: memref<256x256xf32, #tpu.memory_space<vmem>>, %arg37: memref<4096x256xf32, #tpu.memory_space<vmem>>, %arg38: memref<4096x256xf32, #tpu.memory_space<vmem>>, %arg39: memref<256x256xf32, #tpu.memory_space<vmem>>, %arg40: memref<256x256xf32, #tpu.memory_space<vmem>>, %arg41: memref<256x256xf32, #tpu.memory_space<vmem>>) attributes {dimension_semantics = [], scalar_prefetch = 0 : i64, scratch_operands = 5 : i64, tpu.core_type = #tpu.core_type<tc>} {
    %scan3A = arith.constant 0 : i32
    %scan3A_0 = arith.constant 8 : i32
    %scan3A_1 = arith.addi %scan3A, %scan3A_0 : i32
    %scan3A_2 = arith.constant 1 : i32
    scf.for %scan3A_1047 = %scan3A to %scan3A_1 step %scan3A_2  : i32 {
      %mul3A_1048 = arith.constant 512 : i32
      %mul3A_1049 = arith.muli %scan3A_1047, %mul3A_1048 : i32
      %iota3A = tpu.iota {dimensions = array<i32: 1>} : vector<512x256xi32>
      %get3A_1050 = arith.index_cast %mul3A_1049 : i32 to index
      %get3A_1051 = arith.constant 0 : index
      %get3A_1052 = vector.load %arg3[%get3A_1050, %get3A_1051] : memref<4096x1xi32, #tpu.memory_space<vmem>>, vector<512x1xi32>
      %eq3A = vector.broadcast %get3A_1052 : vector<512x1xi32> to vector<512x256xi32>
      %eq3A_1053 = arith.cmpi eq, %eq3A, %iota3A : vector<512x256xi32>
      %convert_element_type3A_1054 = arith.extui %eq3A_1053 : vector<512x256xi1> to vector<512x256xi32>
      %convert_element_type3A_1055 = arith.sitofp %convert_element_type3A_1054 : vector<512x256xi32> to vector<512x256xf32>
      %swap3A_1056 = arith.index_cast %mul3A_1049 : i32 to index
      %swap3A_1057 = arith.constant 0 : index
      %swap3A_1058 = vector.load %arg37[%swap3A_1056, %swap3A_1057] : memref<4096x256xf32, #tpu.memory_space<vmem>>, vector<512x256xf32>
      tpu.vector_store %arg37[%swap3A_1056, %swap3A_1057], %convert_element_type3A_1055 {strides = array<i32>} : memref<4096x256xf32, #tpu.memory_space<vmem>>, vector<512x256xf32>,
    }
    %scan3A_3 = arith.constant 8 : i32
    %get3A = arith.constant 0 : index
    %get3A_4 = arith.constant 0 : index
    %get3A_5 = vector.load %arg1[%get3A, %get3A_4] : memref<256x256xf32, #tpu.memory_space<vmem>>, vector<256x256xf32>
    %get3A_6 = arith.constant 0 : index
    %get3A_7 = arith.constant 0 : index
    %get3A_8 = arith.constant 0 : index
    %get3A_9 = vector.load %arg8[%get3A_6, %get3A_7, %get3A_8] : memref<6x512x256xf32, #tpu.memory_space<vmem>>, vector<1x256x256xf32>
    %get3A_10 = vector.shape_cast %get3A_9 : vector<1x256x256xf32> to vector<256x256xf32>
    %get3A_11 = arith.constant 0 : index
    %get3A_12 = arith.constant 256 : index
    %get3A_13 = arith.constant 0 : index
    %get3A_14 = vector.load %arg8[%get3A_11, %get3A_12, %get3A_13] : memref<6x512x256xf32, #tpu.memory_space<vmem>>, vector<1x256x256xf32>
    %get3A_15 = vector.shape_cast %get3A_14 : vector<1x256x256xf32> to vector<256x256xf32>
    %get3A_16 = arith.constant 0 : index
    %get3A_17 = arith.constant 0 : index
    %get3A_18 = arith.constant 0 : index
    %get3A_19 = vector.load %arg4[%get3A_16, %get3A_17, %get3A_18] : memref<6x256x256xf32, #tpu.memory_space<vmem>>, vector<1x256x256xf32>
    %get3A_20 = vector.shape_cast %get3A_19 : vector<1x256x256xf32> to vector<256x256xf32>
    %convert_element_type3A = arith.truncf %get3A_5 : vector<256x256xf32> to vector<256x256xbf16>
    %convert_element_type3A_21 = arith.truncf %get3A_20 : vector<256x256xf32> to vector<256x256xbf16>
    %dot_general3A = arith.constant dense<0.000000e+00> : vector<256x256xf32>
    %dot_general3A_22 = tpu.matmul %convert_element_type3A, %convert_element_type3A_21, %dot_general3A {dimension_numbers = #tpu.dot_dimension_numbers<[1], [0], [0], [1], [0, 0, 1, 1], [], []>, transpose_lhs_hint = false} : vector<256x256xbf16>, vector<256x256xbf16>, vector<256x256xf32> -> vector<256x256xf32>
    %get3A_23 = arith.constant 0 : index
    %get3A_24 = arith.constant 0 : index
    %get3A_25 = arith.constant 0 : index
    %get3A_26 = vector.load %arg5[%get3A_23, %get3A_24, %get3A_25] : memref<6x1x256xf32, #tpu.memory_space<vmem>>, vector<1x1x256xf32>
    %get3A_27 = vector.shape_cast %get3A_26 : vector<1x1x256xf32> to vector<1x256xf32>
    %add3A = vector.broadcast %get3A_27 : vector<1x256xf32> to vector<256x256xf32>
    %add3A_28 = arith.addf %dot_general3A_22, %add3A : vector<256x256xf32>
    %convert_element_type3A_29 = arith.truncf %add3A_28 : vector<256x256xf32> to vector<256x256xbf16>
    %convert_element_type3A_30 = arith.truncf %get3A_10 : vector<256x256xf32> to vector<256x256xbf16>
    %dot_general3A_31 = arith.constant dense<0.000000e+00> : vector<256x256xf32>
    %dot_general3A_32 = tpu.matmul %convert_element_type3A_29, %convert_element_type3A_30, %dot_general3A_31 {dimension_numbers = #tpu.dot_dimension_numbers<[1], [0], [0], [1], [0, 0, 1, 1], [], []>, transpose_lhs_hint = false} : vector<256x256xbf16>, vector<256x256xbf16>, vector<256x256xf32> -> vector<256x256xf32>
    %get3A_33 = arith.constant 0 : index
    %get3A_34 = arith.constant 0 : index
    %get3A_35 = arith.constant 0 : index
    %get3A_36 = vector.load %arg9[%get3A_33, %get3A_34, %get3A_35] : memref<6x1x256xf32, #tpu.memory_space<vmem>>, vector<1x1x256xf32>
    %get3A_37 = vector.shape_cast %get3A_36 : vector<1x1x256xf32> to vector<1x256xf32>
    %get3A_38 = arith.constant 0 : index
    %get3A_39 = arith.constant 0 : index
    %get3A_40 = arith.constant 0 : index
    %get3A_41 = vector.load %arg11[%get3A_38, %get3A_39, %get3A_40] : memref<6x1x256xf32, #tpu.memory_space<vmem>>, vector<1x1x256xf32>
    %get3A_42 = vector.shape_cast %get3A_41 : vector<1x1x256xf32> to vector<1x256xf32>
    %get3A_43 = arith.constant 0 : index
    %get3A_44 = arith.constant 0 : index
    %get3A_45 = arith.constant 0 : index
    %get3A_46 = vector.load %arg10[%get3A_43, %get3A_44, %get3A_45] : memref<6x256x256xf32, #tpu.memory_space<vmem>>, vector<1x256x256xf32>
    %get3A_47 = vector.shape_cast %get3A_46 : vector<1x256x256xf32> to vector<256x256xf32>
    %scan3A_48 = arith.constant 0 : i32
    %scan3A_49 = arith.constant 8 : i32
    %scan3A_50 = arith.addi %scan3A_48, %scan3A_49 : i32
    %scan3A_51 = arith.constant 1 : i32
    scf.for %scan3A_1047 = %scan3A_48 to %scan3A_50 step %scan3A_51  : i32 {
      %mul3A_1048 = arith.constant 512 : i32
      %mul3A_1049 = arith.muli %scan3A_1047, %mul3A_1048 : i32
      %get3A_1050 = arith.index_cast %mul3A_1049 : i32 to index
      %get3A_1051 = arith.constant 0 : index
      %get3A_1052 = vector.load %arg37[%get3A_1050, %get3A_1051] : memref<4096x256xf32, #tpu.memory_space<vmem>>, vector<512x256xf32>
      %get3A_1053 = arith.index_cast %mul3A_1049 : i32 to index
      %get3A_1054 = arith.constant 0 : index
      %get3A_1055 = vector.load %arg2[%get3A_1053, %get3A_1054] : memref<4096x16xf32, #tpu.memory_space<vmem>>, vector<512x16xf32>
      %get3A_1056 = arith.constant 0 : index
      %get3A_1057 = arith.constant 0 : index
      %get3A_1058 = arith.constant 0 : index
      %get3A_1059 = vector.load %arg6[%get3A_1056, %get3A_1057, %get3A_1058] : memref<6x16x256xf32, #tpu.memory_space<vmem>>, vector<1x16x256xf32>
      %get3A_1060 = vector.shape_cast %get3A_1059 : vector<1x16x256xf32> to vector<16x256xf32>
      %convert_element_type3A_1061 = arith.truncf %get3A_1055 : vector<512x16xf32> to vector<512x16xbf16>
      %convert_element_type3A_1062 = arith.truncf %get3A_1060 : vector<16x256xf32> to vector<16x256xbf16>
      %dot_general3A_1063 = arith.constant dense<0.000000e+00> : vector<512x256xf32>
      %dot_general3A_1064 = tpu.matmul %convert_element_type3A_1061, %convert_element_type3A_1062, %dot_general3A_1063 {dimension_numbers = #tpu.dot_dimension_numbers<[1], [0], [0], [1], [0, 0, 1, 1], [], []>, transpose_lhs_hint = false} : vector<512x16xbf16>, vector<16x256xbf16>, vector<512x256xf32> -> vector<512x256xf32>
      %get3A_1065 = arith.constant 0 : index
      %get3A_1066 = arith.constant 0 : index
      %get3A_1067 = arith.constant 0 : index
      %get3A_1068 = vector.load %arg7[%get3A_1065, %get3A_1066, %get3A_1067] : memref<6x1x256xf32, #tpu.memory_space<vmem>>, vector<1x1x256xf32>
      %get3A_1069 = vector.shape_cast %get3A_1068 : vector<1x1x256xf32> to vector<1x256xf32>
      %add3A_1070 = vector.broadcast %get3A_1069 : vector<1x256xf32> to vector<512x256xf32>
      %add3A_1071 = arith.addf %dot_general3A_1064, %add3A_1070 : vector<512x256xf32>
      %convert_element_type3A_1072 = arith.truncf %add3A_1071 : vector<512x256xf32> to vector<512x256xbf16>
      %convert_element_type3A_1073 = arith.truncf %get3A_15 : vector<256x256xf32> to vector<256x256xbf16>
      %dot_general3A_1074 = arith.constant dense<0.000000e+00> : vector<512x256xf32>
      %dot_general3A_1075 = tpu.matmul %convert_element_type3A_1072, %convert_element_type3A_1073, %dot_general3A_1074 {dimension_numbers = #tpu.dot_dimension_numbers<[1], [0], [0], [1], [0, 0, 1, 1], [], []>, transpose_lhs_hint = false} : vector<512x256xbf16>, vector<256x256xbf16>, vector<512x256xf32> -> vector<512x256xf32>
      %dot_general3A_1076 = arith.constant dense<0.000000e+00> : vector<512x256xf32>
      %dot_general3A_1077 = tpu.matmul %get3A_1052, %dot_general3A_32, %dot_general3A_1076 {dimension_numbers = #tpu.dot_dimension_numbers<[1], [0], [0], [1], [0, 0, 1, 1], [], []>, precision = #tpu.contract_precision<fp32>, transpose_lhs_hint = false} : vector<512x256xf32>, vector<256x256xf32>, vector<512x256xf32> -> vector<512x256xf32>
      %add3A_1078 = arith.addf %dot_general3A_1077, %dot_general3A_1075 : vector<512x256xf32>
      %add3A_1079 = vector.broadcast %get3A_37 : vector<1x256xf32> to vector<512x256xf32>
      %add3A_1080 = arith.addf %add3A_1078, %add3A_1079 : vector<512x256xf32>
      %max3A_1081 = arith.constant 0.000000e+00 : f32
      %max3A_1082 = vector.broadcast %max3A_1081 : f32 to vector<512x256xf32>
      %max3A_1083 = arith.maximumf %add3A_1080, %max3A_1082 : vector<512x256xf32>
      %convert_element_type3A_1084 = arith.truncf %max3A_1083 : vector<512x256xf32> to vector<512x256xbf16>
      %convert_element_type3A_1085 = arith.truncf %get3A_47 : vector<256x256xf32> to vector<256x256xbf16>
      %dot_general3A_1086 = arith.constant dense<0.000000e+00> : vector<512x256xf32>
      %dot_general3A_1087 = tpu.matmul %convert_element_type3A_1084, %convert_element_type3A_1085, %dot_general3A_1086 {dimension_numbers = #tpu.dot_dimension_numbers<[1], [0], [0], [1], [0, 0, 1, 1], [], []>, transpose_lhs_hint = false} : vector<512x256xbf16>, vector<256x256xbf16>, vector<512x256xf32> -> vector<512x256xf32>
      %add3A_1088 = vector.broadcast %get3A_42 : vector<1x256xf32> to vector<512x256xf32>
      %add3A_1089 = arith.addf %dot_general3A_1087, %add3A_1088 : vector<512x256xf32>
      %swap3A_1090 = arith.index_cast %mul3A_1049 : i32 to index
      %swap3A_1091 = arith.constant 0 : index
      %swap3A_1092 = vector.load %arg38[%swap3A_1090, %swap3A_1091] : memref<4096x256xf32, #tpu.memory_space<vmem>>, vector<512x256xf32>
      tpu.vector_store %arg38[%swap3A_1090, %swap3A_1091], %add3A_1089 {strides = array<i32>} : memref<4096x256xf32, #tpu.memory_space<vmem>>, vector<512x256xf32>,
    }
    %scan3A_52 = arith.constant 8 : i32
    %broadcast_in_dim3A = arith.constant 0.000000e+00 : f32
    %broadcast_in_dim3A_53 = vector.broadcast %broadcast_in_dim3A : f32 to vector<256x256xf32>
    %swap3A = arith.constant 0 : index
    %swap3A_54 = arith.constant 0 : index
    %swap3A_55 = vector.load %arg39[%swap3A, %swap3A_54] : memref<256x256xf32, #tpu.memory_space<vmem>>, vector<256x256xf32>
    tpu.vector_store %arg39[%swap3A, %swap3A_54], %broadcast_in_dim3A_53 {strides = array<i32>} : memref<256x256xf32, #tpu.memory_space<vmem>>, vector<256x256xf32>,
    %scan3A_56 = arith.constant 0 : i32
    %scan3A_57 = arith.constant 4096 : i32
    %scan3A_58 = arith.addi %scan3A_56, %scan3A_57 : i32
    %scan3A_59 = arith.constant 8 : i32
    scf.for %scan3A_1047 = %scan3A_56 to %scan3A_58 step %scan3A_59  : i32 {
      %get3A_1048 = arith.constant 1 : index
      %get3A_1049 = arith.index_cast %scan3A_1047 : i32 to index
      %get3A_1050 = memref.load %arg0[%get3A_1048, %get3A_1049] : memref<2x4096xi32, #tpu.memory_space<smem>>
      %get3A_1051 = arith.index_cast %get3A_1050 : i32 to index
      %get3A_1052 = arith.constant 0 : index
      %get3A_1053 = vector.load %arg39[%get3A_1051, %get3A_1052] : memref<256x256xf32, #tpu.memory_space<vmem>>, vector<1x256xf32>
      %get3A_1054 = arith.index_cast %scan3A_1047 : i32 to index
      %get3A_1055 = arith.constant 0 : index
      %get3A_1056 = vector.load %arg38[%get3A_1054, %get3A_1055] : memref<4096x256xf32, #tpu.memory_space<vmem>>, vector<1x256xf32>
      %add3A_1057 = arith.addf %get3A_1053, %get3A_1056 : vector<1x256xf32>
      %swap3A_1058 = arith.index_cast %get3A_1050 : i32 to index
      %swap3A_1059 = arith.constant 0 : index
      %swap3A_1060 = vector.load %arg39[%swap3A_1058, %swap3A_1059] : memref<256x256xf32, #tpu.memory_space<vmem>>, vector<1x256xf32>
      tpu.vector_store %arg39[%swap3A_1058, %swap3A_1059], %add3A_1057 {strides = array<i32>} : memref<256x256xf32, #tpu.memory_space<vmem>>, vector<1x256xf32>,
      %scan3A_1061 = arith.constant 1 : i32
      %scan3A_1062 = arith.addi %scan3A_1047, %scan3A_1061 : i32
      %get3A_1063 = arith.constant 1 : index
      %get3A_1064 = arith.index_cast %scan3A_1062 : i32 to index
      %get3A_1065 = memref.load %arg0[%get3A_1063, %get3A_1064] : memref<2x4096xi32, #tpu.memory_space<smem>>
      %get3A_1066 = arith.index_cast %get3A_1065 : i32 to index
      %get3A_1067 = arith.constant 0 : index
      %get3A_1068 = vector.load %arg39[%get3A_1066, %get3A_1067] : memref<256x256xf32, #tpu.memory_space<vmem>>, vector<1x256xf32>
      %get3A_1069 = arith.index_cast %scan3A_1062 : i32 to index
      %get3A_1070 = arith.constant 0 : index
      %get3A_1071 = vector.load %arg38[%get3A_1069, %get3A_1070] : memref<4096x256xf32, #tpu.memory_space<vmem>>, vector<1x256xf32>
      %add3A_1072 = arith.addf %get3A_1068, %get3A_1071 : vector<1x256xf32>
      %swap3A_1073 = arith.index_cast %get3A_1065 : i32 to index
      %swap3A_1074 = arith.constant 0 : index
      %swap3A_1075 = vector.load %arg39[%swap3A_1073, %swap3A_1074] : memref<256x256xf32, #tpu.memory_space<vmem>>, vector<1x256xf32>
      tpu.vector_store %arg39[%swap3A_1073, %swap3A_1074], %add3A_1072 {strides = array<i32>} : memref<256x256xf32, #tpu.memory_space<vmem>>, vector<1x256xf32>,
      %scan3A_1076 = arith.constant 2 : i32
      %scan3A_1077 = arith.addi %scan3A_1047, %scan3A_1076 : i32
      %get3A_1078 = arith.constant 1 : index
      %get3A_1079 = arith.index_cast %scan3A_1077 : i32 to index
      %get3A_1080 = memref.load %arg0[%get3A_1078, %get3A_1079] : memref<2x4096xi32, #tpu.memory_space<smem>>
      %get3A_1081 = arith.index_cast %get3A_1080 : i32 to index
      %get3A_1082 = arith.constant 0 : index
      %get3A_1083 = vector.load %arg39[%get3A_1081, %get3A_1082] : memref<256x256xf32, #tpu.memory_space<vmem>>, vector<1x256xf32>
      %get3A_1084 = arith.index_cast %scan3A_1077 : i32 to index
      %get3A_1085 = arith.constant 0 : index
      %get3A_1086 = vector.load %arg38[%get3A_1084, %get3A_1085] : memref<4096x256xf32, #tpu.memory_space<vmem>>, vector<1x256xf32>
      %add3A_1087 = arith.addf %get3A_1083, %get3A_1086 : vector<1x256xf32>
      %swap3A_1088 = arith.index_cast %get3A_1080 : i32 to index
      %swap3A_1089 = arith.constant 0 : index
      %swap3A_1090 = vector.load %arg39[%swap3A_1088, %swap3A_1089] : memref<256x256xf32, #tpu.memory_space<vmem>>, vector<1x256xf32>
      tpu.vector_store %arg39[%swap3A_1088, %swap3A_1089], %add3A_1087 {strides = array<i32>} : memref<256x256xf32, #tpu.memory_space<vmem>>, vector<1x256xf32>,
      %scan3A_1091 = arith.constant 3 : i32
      %scan3A_1092 = arith.addi %scan3A_1047, %scan3A_1091 : i32
      %get3A_1093 = arith.constant 1 : index
      %get3A_1094 = arith.index_cast %scan3A_1092 : i32 to index
      %get3A_1095 = memref.load %arg0[%get3A_1093, %get3A_1094] : memref<2x4096xi32, #tpu.memory_space<smem>>
      %get3A_1096 = arith.index_cast %get3A_1095 : i32 to index
      %get3A_1097 = arith.constant 0 : index
      %get3A_1098 = vector.load %arg39[%get3A_1096, %get3A_1097] : memref<256x256xf32, #tpu.memory_space<vmem>>, vector<1x256xf32>
      %get3A_1099 = arith.index_cast %scan3A_1092 : i32 to index
      %get3A_1100 = arith.constant 0 : index
      %get3A_1101 = vector.load %arg38[%get3A_1099, %get3A_1100] : memref<4096x256xf32, #tpu.memory_space<vmem>>, vector<1x256xf32>
      %add3A_1102 = arith.addf %get3A_1098, %get3A_1101 : vector<1x256xf32>
      %swap3A_1103 = arith.index_cast %get3A_1095 : i32 to index
      %swap3A_1104 = arith.constant 0 : index
      %swap3A_1105 = vector.load %arg39[%swap3A_1103, %swap3A_1104] : memref<256x256xf32, #tpu.memory_space<vmem>>, vector<1x256xf32>
      tpu.vector_store %arg39[%swap3A_1103, %swap3A_1104], %add3A_1102 {strides = array<i32>} : memref<256x256xf32, #tpu.memory_space<vmem>>, vector<1x256xf32>,
      %scan3A_1106 = arith.constant 4 : i32
      %scan3A_1107 = arith.addi %scan3A_1047, %scan3A_1106 : i32
      %get3A_1108 = arith.constant 1 : index
      %get3A_1109 = arith.index_cast %scan3A_1107 : i32 to index
      %get3A_1110 = memref.load %arg0[%get3A_1108, %get3A_1109] : memref<2x4096xi32, #tpu.memory_space<smem>>
      %get3A_1111 = arith.index_cast %get3A_1110 : i32 to index
      %get3A_1112 = arith.constant 0 : index
      %get3A_1113 = vector.load %arg39[%get3A_1111, %get3A_1112] : memref<256x256xf32, #tpu.memory_space<vmem>>, vector<1x256xf32>
      %get3A_1114 = arith.index_cast %scan3A_1107 : i32 to index
      %get3A_1115 = arith.constant 0 : index
      %get3A_1116 = vector.load %arg38[%get3A_1114, %get3A_1115] : memref<4096x256xf32, #tpu.memory_space<vmem>>, vector<1x256xf32>
      %add3A_1117 = arith.addf %get3A_1113, %get3A_1116 : vector<1x256xf32>
      %swap3A_1118 = arith.index_cast %get3A_1110 : i32 to index
      %swap3A_1119 = arith.constant 0 : index
      %swap3A_1120 = vector.load %arg39[%swap3A_1118, %swap3A_1119] : memref<256x256xf32, #tpu.memory_space<vmem>>, vector<1x256xf32>
      tpu.vector_store %arg39[%swap3A_1118, %swap3A_1119], %add3A_1117 {strides = array<i32>} : memref<256x256xf32, #tpu.memory_space<vmem>>, vector<1x256xf32>,
      %scan3A_1121 = arith.constant 5 : i32
      %scan3A_1122 = arith.addi %scan3A_1047, %scan3A_1121 : i32
      %get3A_1123 = arith.constant 1 : index
      %get3A_1124 = arith.index_cast %scan3A_1122 : i32 to index
      %get3A_1125 = memref.load %arg0[%get3A_1123, %get3A_1124] : memref<2x4096xi32, #tpu.memory_space<smem>>
      %get3A_1126 = arith.index_cast %get3A_1125 : i32 to index
      %get3A_1127 = arith.constant 0 : index
      %get3A_1128 = vector.load %arg39[%get3A_1126, %get3A_1127] : memref<256x256xf32, #tpu.memory_space<vmem>>, vector<1x256xf32>
      %get3A_1129 = arith.index_cast %scan3A_1122 : i32 to index
      %get3A_1130 = arith.constant 0 : index
      %get3A_1131 = vector.load %arg38[%get3A_1129, %get3A_1130] : memref<4096x256xf32, #tpu.memory_space<vmem>>, vector<1x256xf32>
      %add3A_1132 = arith.addf %get3A_1128, %get3A_1131 : vector<1x256xf32>
      %swap3A_1133 = arith.index_cast %get3A_1125 : i32 to index
      %swap3A_1134 = arith.constant 0 : index
      %swap3A_1135 = vector.load %arg39[%swap3A_1133, %swap3A_1134] : memref<256x256xf32, #tpu.memory_space<vmem>>, vector<1x256xf32>
      tpu.vector_store %arg39[%swap3A_1133, %swap3A_1134], %add3A_1132 {strides = array<i32>} : memref<256x256xf32, #tpu.memory_space<vmem>>, vector<1x256xf32>,
      %scan3A_1136 = arith.constant 6 : i32
      %scan3A_1137 = arith.addi %scan3A_1047, %scan3A_1136 : i32
      %get3A_1138 = arith.constant 1 : index
      %get3A_1139 = arith.index_cast %scan3A_1137 : i32 to index
      %get3A_1140 = memref.load %arg0[%get3A_1138, %get3A_1139] : memref<2x4096xi32, #tpu.memory_space<smem>>
      %get3A_1141 = arith.index_cast %get3A_1140 : i32 to index
      %get3A_1142 = arith.constant 0 : index
      %get3A_1143 = vector.load %arg39[%get3A_1141, %get3A_1142] : memref<256x256xf32, #tpu.memory_space<vmem>>, vector<1x256xf32>
      %get3A_1144 = arith.index_cast %scan3A_1137 : i32 to index
      %get3A_1145 = arith.constant 0 : index
      %get3A_1146 = vector.load %arg38[%get3A_1144, %get3A_1145] : memref<4096x256xf32, #tpu.memory_space<vmem>>, vector<1x256xf32>
      %add3A_1147 = arith.addf %get3A_1143, %get3A_1146 : vector<1x256xf32>
      %swap3A_1148 = arith.index_cast %get3A_1140 : i32 to index
      %swap3A_1149 = arith.constant 0 : index
      %swap3A_1150 = vector.load %arg39[%swap3A_1148, %swap3A_1149] : memref<256x256xf32, #tpu.memory_space<vmem>>, vector<1x256xf32>
      tpu.vector_store %arg39[%swap3A_1148, %swap3A_1149], %add3A_1147 {strides = array<i32>} : memref<256x256xf32, #tpu.memory_space<vmem>>, vector<1x256xf32>,
      %scan3A_1151 = arith.constant 7 : i32
      %scan3A_1152 = arith.addi %scan3A_1047, %scan3A_1151 : i32
      %get3A_1153 = arith.constant 1 : index
      %get3A_1154 = arith.index_cast %scan3A_1152 : i32 to index
      %get3A_1155 = memref.load %arg0[%get3A_1153, %get3A_1154] : memref<2x4096xi32, #tpu.memory_space<smem>>
      %get3A_1156 = arith.index_cast %get3A_1155 : i32 to index
      %get3A_1157 = arith.constant 0 : index
      %get3A_1158 = vector.load %arg39[%get3A_1156, %get3A_1157] : memref<256x256xf32, #tpu.memory_space<vmem>>, vector<1x256xf32>
      %get3A_1159 = arith.index_cast %scan3A_1152 : i32 to index
      %get3A_1160 = arith.constant 0 : index
      %get3A_1161 = vector.load %arg38[%get3A_1159, %get3A_1160] : memref<4096x256xf32, #tpu.memory_space<vmem>>, vector<1x256xf32>
      %add3A_1162 = arith.addf %get3A_1158, %get3A_1161 : vector<1x256xf32>
      %swap3A_1163 = arith.index_cast %get3A_1155 : i32 to index
      %swap3A_1164 = arith.constant 0 : index
      %swap3A_1165 = vector.load %arg39[%swap3A_1163, %swap3A_1164] : memref<256x256xf32, #tpu.memory_space<vmem>>, vector<1x256xf32>
      tpu.vector_store %arg39[%swap3A_1163, %swap3A_1164], %add3A_1162 {strides = array<i32>} : memref<256x256xf32, #tpu.memory_space<vmem>>, vector<1x256xf32>,
    }
    %scan3A_60 = arith.constant 4096 : i32
    %get3A_61 = arith.constant 0 : index
    %get3A_62 = arith.constant 0 : index
    %get3A_63 = vector.load %arg39[%get3A_61, %get3A_62] : memref<256x256xf32, #tpu.memory_space<vmem>>, vector<256x256xf32>
    %get3A_64 = arith.constant 0 : index
    %get3A_65 = arith.constant 0 : index
    %get3A_66 = arith.constant 0 : index
    %get3A_67 = vector.load %arg12[%get3A_64, %get3A_65, %get3A_66] : memref<6x512x256xf32, #tpu.memory_space<vmem>>, vector<1x256x256xf32>
    %get3A_68 = vector.shape_cast %get3A_67 : vector<1x256x256xf32> to vector<256x256xf32>
    %convert_element_type3A_69 = arith.truncf %get3A_5 : vector<256x256xf32> to vector<256x256xbf16>
    %convert_element_type3A_70 = arith.truncf %get3A_68 : vector<256x256xf32> to vector<256x256xbf16>
    %dot_general3A_71 = arith.constant dense<0.000000e+00> : vector<256x256xf32>
    %dot_general3A_72 = tpu.matmul %convert_element_type3A_69, %convert_element_type3A_70, %dot_general3A_71 {dimension_numbers = #tpu.dot_dimension_numbers<[1], [0], [0], [1], [0, 0, 1, 1], [], []>, transpose_lhs_hint = false} : vector<256x256xbf16>, vector<256x256xbf16>, vector<256x256xf32> -> vector<256x256xf32>
    %get3A_73 = arith.constant 0 : index
    %get3A_74 = arith.constant 256 : index
    %get3A_75 = arith.constant 0 : index
    %get3A_76 = vector.load %arg12[%get3A_73, %get3A_74, %get3A_75] : memref<6x512x256xf32, #tpu.memory_space<vmem>>, vector<1x256x256xf32>
    %get3A_77 = vector.shape_cast %get3A_76 : vector<1x256x256xf32> to vector<256x256xf32>
    %convert_element_type3A_78 = arith.truncf %get3A_63 : vector<256x256xf32> to vector<256x256xbf16>
    %convert_element_type3A_79 = arith.truncf %get3A_77 : vector<256x256xf32> to vector<256x256xbf16>
    %dot_general3A_80 = arith.constant dense<0.000000e+00> : vector<256x256xf32>
    %dot_general3A_81 = tpu.matmul %convert_element_type3A_78, %convert_element_type3A_79, %dot_general3A_80 {dimension_numbers = #tpu.dot_dimension_numbers<[1], [0], [0], [1], [0, 0, 1, 1], [], []>, transpose_lhs_hint = false} : vector<256x256xbf16>, vector<256x256xbf16>, vector<256x256xf32> -> vector<256x256xf32>
    %add3A_82 = arith.addf %dot_general3A_72, %dot_general3A_81 : vector<256x256xf32>
    %get3A_83 = arith.constant 0 : index
    %get3A_84 = arith.constant 0 : index
    %get3A_85 = arith.constant 0 : index
    %get3A_86 = vector.load %arg13[%get3A_83, %get3A_84, %get3A_85] : memref<6x1x256xf32, #tpu.memory_space<vmem>>, vector<1x1x256xf32>
    %get3A_87 = vector.shape_cast %get3A_86 : vector<1x1x256xf32> to vector<1x256xf32>
    %add3A_88 = vector.broadcast %get3A_87 : vector<1x256xf32> to vector<256x256xf32>
    %add3A_89 = arith.addf %add3A_82, %add3A_88 : vector<256x256xf32>
    %max3A = arith.constant 0.000000e+00 : f32
    %max3A_90 = vector.broadcast %max3A : f32 to vector<256x256xf32>
    %max3A_91 = arith.maximumf %add3A_89, %max3A_90 : vector<256x256xf32>
    %get3A_92 = arith.constant 0 : index
    %get3A_93 = arith.constant 0 : index
    %get3A_94 = arith.constant 0 : index
    %get3A_95 = vector.load %arg14[%get3A_92, %get3A_93, %get3A_94] : memref<6x256x256xf32, #tpu.memory_space<vmem>>, vector<1x256x256xf32>
    %get3A_96 = vector.shape_cast %get3A_95 : vector<1x256x256xf32> to vector<256x256xf32>
    %convert_element_type3A_97 = arith.truncf %max3A_91 : vector<256x256xf32> to vector<256x256xbf16>
    %convert_element_type3A_98 = arith.truncf %get3A_96 : vector<256x256xf32> to vector<256x256xbf16>
    %dot_general3A_99 = arith.constant dense<0.000000e+00> : vector<256x256xf32>
    %dot_general3A_100 = tpu.matmul %convert_element_type3A_97, %convert_element_type3A_98, %dot_general3A_99 {dimension_numbers = #tpu.dot_dimension_numbers<[1], [0], [0], [1], [0, 0, 1, 1], [], []>, transpose_lhs_hint = false} : vector<256x256xbf16>, vector<256x256xbf16>, vector<256x256xf32> -> vector<256x256xf32>
    %get3A_101 = arith.constant 0 : index
    %get3A_102 = arith.constant 0 : index
    %get3A_103 = arith.constant 0 : index
    %get3A_104 = vector.load %arg15[%get3A_101, %get3A_102, %get3A_103] : memref<6x1x256xf32, #tpu.memory_space<vmem>>, vector<1x1x256xf32>
    %get3A_105 = vector.shape_cast %get3A_104 : vector<1x1x256xf32> to vector<1x256xf32>
    %add3A_106 = vector.broadcast %get3A_105 : vector<1x256xf32> to vector<256x256xf32>
    %add3A_107 = arith.addf %dot_general3A_100, %add3A_106 : vector<256x256xf32>
    %reduce_sum3A = arith.constant dense<0.000000e+00> : vector<256xf32>
    %reduce_sum3A_108 = vector.multi_reduction <add>, %add3A_107, %reduce_sum3A [1] : vector<256x256xf32> to vector<256xf32>
    %broadcast_in_dim3A_109 = vector.shape_cast %reduce_sum3A_108 : vector<256xf32> to vector<256x1xf32>
    %div3A = arith.constant 2.560000e+02 : f32
    %div3A_110 = vector.broadcast %div3A : f32 to vector<256x1xf32>
    %div3A_111 = arith.divf %broadcast_in_dim3A_109, %div3A_110 : vector<256x1xf32>
    %sub3A = vector.broadcast %div3A_111 : vector<256x1xf32> to vector<256x256xf32>
    %sub3A_112 = arith.subf %add3A_107, %sub3A : vector<256x256xf32>
    %integer_pow3A = arith.mulf %sub3A_112, %sub3A_112 : vector<256x256xf32>
    %reduce_sum3A_113 = arith.constant dense<0.000000e+00> : vector<256xf32>
    %reduce_sum3A_114 = vector.multi_reduction <add>, %integer_pow3A, %reduce_sum3A_113 [1] : vector<256x256xf32> to vector<256xf32>
    %broadcast_in_dim3A_115 = vector.shape_cast %reduce_sum3A_114 : vector<256xf32> to vector<256x1xf32>
    %div3A_116 = arith.constant 2.560000e+02 : f32
    %div3A_117 = vector.broadcast %div3A_116 : f32 to vector<256x1xf32>
    %div3A_118 = arith.divf %broadcast_in_dim3A_115, %div3A_117 : vector<256x1xf32>
    %sub3A_119 = vector.broadcast %div3A_111 : vector<256x1xf32> to vector<256x256xf32>
    %sub3A_120 = arith.subf %add3A_107, %sub3A_119 : vector<256x256xf32>
    %add3A_121 = arith.constant 9.99999974E-6 : f32
    %add3A_122 = vector.broadcast %add3A_121 : f32 to vector<256x1xf32>
    %add3A_123 = arith.addf %div3A_118, %add3A_122 : vector<256x1xf32>
    %sqrt3A = math.sqrt %add3A_123 : vector<256x1xf32>
    %div3A_124 = vector.broadcast %sqrt3A : vector<256x1xf32> to vector<256x256xf32>
    %div3A_125 = arith.divf %sub3A_120, %div3A_124 : vector<256x256xf32>
    %get3A_126 = arith.constant 0 : index
    %get3A_127 = arith.constant 0 : index
    %get3A_128 = arith.constant 0 : index
    %get3A_129 = vector.load %arg16[%get3A_126, %get3A_127, %get3A_128] : memref<6x1x256xf32, #tpu.memory_space<vmem>>, vector<1x1x256xf32>
    %get3A_130 = vector.shape_cast %get3A_129 : vector<1x1x256xf32> to vector<1x256xf32>
    %mul3A = vector.broadcast %get3A_130 : vector<1x256xf32> to vector<256x256xf32>
    %mul3A_131 = arith.mulf %div3A_125, %mul3A : vector<256x256xf32>
    %get3A_132 = arith.constant 0 : index
    %get3A_133 = arith.constant 0 : index
    %get3A_134 = arith.constant 0 : index
    %get3A_135 = vector.load %arg17[%get3A_132, %get3A_133, %get3A_134] : memref<6x1x256xf32, #tpu.memory_space<vmem>>, vector<1x1x256xf32>
    %get3A_136 = vector.shape_cast %get3A_135 : vector<1x1x256xf32> to vector<1x256xf32>
    %add3A_137 = vector.broadcast %get3A_136 : vector<1x256xf32> to vector<256x256xf32>
    %add3A_138 = arith.addf %mul3A_131, %add3A_137 : vector<256x256xf32>
    %add3A_139 = arith.addf %add3A_138, %get3A_5 : vector<256x256xf32>
    %max3A_140 = arith.constant 0.000000e+00 : f32
    %max3A_141 = vector.broadcast %max3A_140 : f32 to vector<256x256xf32>
    %max3A_142 = arith.maximumf %add3A_139, %max3A_141 : vector<256x256xf32>
    %get3A_143 = arith.constant 1 : index
    %get3A_144 = arith.constant 0 : index
    %get3A_145 = arith.constant 0 : index
    %get3A_146 = vector.load %arg8[%get3A_143, %get3A_144, %get3A_145] : memref<6x512x256xf32, #tpu.memory_space<vmem>>, vector<1x256x256xf32>
    %get3A_147 = vector.shape_cast %get3A_146 : vector<1x256x256xf32> to vector<256x256xf32>
    %get3A_148 = arith.constant 1 : index
    %get3A_149 = arith.constant 256 : index
    %get3A_150 = arith.constant 0 : index
    %get3A_151 = vector.load %arg8[%get3A_148, %get3A_149, %get3A_150] : memref<6x512x256xf32, #tpu.memory_space<vmem>>, vector<1x256x256xf32>
    %get3A_152 = vector.shape_cast %get3A_151 : vector<1x256x256xf32> to vector<256x256xf32>
    %get3A_153 = arith.constant 1 : index
    %get3A_154 = arith.constant 0 : index
    %get3A_155 = arith.constant 0 : index
    %get3A_156 = vector.load %arg4[%get3A_153, %get3A_154, %get3A_155] : memref<6x256x256xf32, #tpu.memory_space<vmem>>, vector<1x256x256xf32>
    %get3A_157 = vector.shape_cast %get3A_156 : vector<1x256x256xf32> to vector<256x256xf32>
    %convert_element_type3A_158 = arith.truncf %max3A_142 : vector<256x256xf32> to vector<256x256xbf16>
    %convert_element_type3A_159 = arith.truncf %get3A_157 : vector<256x256xf32> to vector<256x256xbf16>
    %dot_general3A_160 = arith.constant dense<0.000000e+00> : vector<256x256xf32>
    %dot_general3A_161 = tpu.matmul %convert_element_type3A_158, %convert_element_type3A_159, %dot_general3A_160 {dimension_numbers = #tpu.dot_dimension_numbers<[1], [0], [0], [1], [0, 0, 1, 1], [], []>, transpose_lhs_hint = false} : vector<256x256xbf16>, vector<256x256xbf16>, vector<256x256xf32> -> vector<256x256xf32>
    %get3A_162 = arith.constant 1 : index
    %get3A_163 = arith.constant 0 : index
    %get3A_164 = arith.constant 0 : index
    %get3A_165 = vector.load %arg5[%get3A_162, %get3A_163, %get3A_164] : memref<6x1x256xf32, #tpu.memory_space<vmem>>, vector<1x1x256xf32>
    %get3A_166 = vector.shape_cast %get3A_165 : vector<1x1x256xf32> to vector<1x256xf32>
    %add3A_167 = vector.broadcast %get3A_166 : vector<1x256xf32> to vector<256x256xf32>
    %add3A_168 = arith.addf %dot_general3A_161, %add3A_167 : vector<256x256xf32>
    %convert_element_type3A_169 = arith.truncf %add3A_168 : vector<256x256xf32> to vector<256x256xbf16>
    %convert_element_type3A_170 = arith.truncf %get3A_147 : vector<256x256xf32> to vector<256x256xbf16>
    %dot_general3A_171 = arith.constant dense<0.000000e+00> : vector<256x256xf32>
    %dot_general3A_172 = tpu.matmul %convert_element_type3A_169, %convert_element_type3A_170, %dot_general3A_171 {dimension_numbers = #tpu.dot_dimension_numbers<[1], [0], [0], [1], [0, 0, 1, 1], [], []>, transpose_lhs_hint = false} : vector<256x256xbf16>, vector<256x256xbf16>, vector<256x256xf32> -> vector<256x256xf32>
    %get3A_173 = arith.constant 1 : index
    %get3A_174 = arith.constant 0 : index
    %get3A_175 = arith.constant 0 : index
    %get3A_176 = vector.load %arg9[%get3A_173, %get3A_174, %get3A_175] : memref<6x1x256xf32, #tpu.memory_space<vmem>>, vector<1x1x256xf32>
    %get3A_177 = vector.shape_cast %get3A_176 : vector<1x1x256xf32> to vector<1x256xf32>
    %get3A_178 = arith.constant 1 : index
    %get3A_179 = arith.constant 0 : index
    %get3A_180 = arith.constant 0 : index
    %get3A_181 = vector.load %arg11[%get3A_178, %get3A_179, %get3A_180] : memref<6x1x256xf32, #tpu.memory_space<vmem>>, vector<1x1x256xf32>
    %get3A_182 = vector.shape_cast %get3A_181 : vector<1x1x256xf32> to vector<1x256xf32>
    %get3A_183 = arith.constant 1 : index
    %get3A_184 = arith.constant 0 : index
    %get3A_185 = arith.constant 0 : index
    %get3A_186 = vector.load %arg10[%get3A_183, %get3A_184, %get3A_185] : memref<6x256x256xf32, #tpu.memory_space<vmem>>, vector<1x256x256xf32>
    %get3A_187 = vector.shape_cast %get3A_186 : vector<1x256x256xf32> to vector<256x256xf32>
    %scan3A_188 = arith.constant 0 : i32
    %scan3A_189 = arith.constant 8 : i32
    %scan3A_190 = arith.addi %scan3A_188, %scan3A_189 : i32
    %scan3A_191 = arith.constant 1 : i32
    scf.for %scan3A_1047 = %scan3A_188 to %scan3A_190 step %scan3A_191  : i32 {
      %mul3A_1048 = arith.constant 512 : i32
      %mul3A_1049 = arith.muli %scan3A_1047, %mul3A_1048 : i32
      %get3A_1050 = arith.index_cast %mul3A_1049 : i32 to index
      %get3A_1051 = arith.constant 0 : index
      %get3A_1052 = vector.load %arg37[%get3A_1050, %get3A_1051] : memref<4096x256xf32, #tpu.memory_space<vmem>>, vector<512x256xf32>
      %get3A_1053 = arith.index_cast %mul3A_1049 : i32 to index
      %get3A_1054 = arith.constant 0 : index
      %get3A_1055 = vector.load %arg2[%get3A_1053, %get3A_1054] : memref<4096x16xf32, #tpu.memory_space<vmem>>, vector<512x16xf32>
      %get3A_1056 = arith.constant 1 : index
      %get3A_1057 = arith.constant 0 : index
      %get3A_1058 = arith.constant 0 : index
      %get3A_1059 = vector.load %arg6[%get3A_1056, %get3A_1057, %get3A_1058] : memref<6x16x256xf32, #tpu.memory_space<vmem>>, vector<1x16x256xf32>
      %get3A_1060 = vector.shape_cast %get3A_1059 : vector<1x16x256xf32> to vector<16x256xf32>
      %convert_element_type3A_1061 = arith.truncf %get3A_1055 : vector<512x16xf32> to vector<512x16xbf16>
      %convert_element_type3A_1062 = arith.truncf %get3A_1060 : vector<16x256xf32> to vector<16x256xbf16>
      %dot_general3A_1063 = arith.constant dense<0.000000e+00> : vector<512x256xf32>
      %dot_general3A_1064 = tpu.matmul %convert_element_type3A_1061, %convert_element_type3A_1062, %dot_general3A_1063 {dimension_numbers = #tpu.dot_dimension_numbers<[1], [0], [0], [1], [0, 0, 1, 1], [], []>, transpose_lhs_hint = false} : vector<512x16xbf16>, vector<16x256xbf16>, vector<512x256xf32> -> vector<512x256xf32>
      %get3A_1065 = arith.constant 1 : index
      %get3A_1066 = arith.constant 0 : index
      %get3A_1067 = arith.constant 0 : index
      %get3A_1068 = vector.load %arg7[%get3A_1065, %get3A_1066, %get3A_1067] : memref<6x1x256xf32, #tpu.memory_space<vmem>>, vector<1x1x256xf32>
      %get3A_1069 = vector.shape_cast %get3A_1068 : vector<1x1x256xf32> to vector<1x256xf32>
      %add3A_1070 = vector.broadcast %get3A_1069 : vector<1x256xf32> to vector<512x256xf32>
      %add3A_1071 = arith.addf %dot_general3A_1064, %add3A_1070 : vector<512x256xf32>
      %convert_element_type3A_1072 = arith.truncf %add3A_1071 : vector<512x256xf32> to vector<512x256xbf16>
      %convert_element_type3A_1073 = arith.truncf %get3A_152 : vector<256x256xf32> to vector<256x256xbf16>
      %dot_general3A_1074 = arith.constant dense<0.000000e+00> : vector<512x256xf32>
      %dot_general3A_1075 = tpu.matmul %convert_element_type3A_1072, %convert_element_type3A_1073, %dot_general3A_1074 {dimension_numbers = #tpu.dot_dimension_numbers<[1], [0], [0], [1], [0, 0, 1, 1], [], []>, transpose_lhs_hint = false} : vector<512x256xbf16>, vector<256x256xbf16>, vector<512x256xf32> -> vector<512x256xf32>
      %dot_general3A_1076 = arith.constant dense<0.000000e+00> : vector<512x256xf32>
      %dot_general3A_1077 = tpu.matmul %get3A_1052, %dot_general3A_172, %dot_general3A_1076 {dimension_numbers = #tpu.dot_dimension_numbers<[1], [0], [0], [1], [0, 0, 1, 1], [], []>, precision = #tpu.contract_precision<fp32>, transpose_lhs_hint = false} : vector<512x256xf32>, vector<256x256xf32>, vector<512x256xf32> -> vector<512x256xf32>
      %add3A_1078 = arith.addf %dot_general3A_1077, %dot_general3A_1075 : vector<512x256xf32>
      %add3A_1079 = vector.broadcast %get3A_177 : vector<1x256xf32> to vector<512x256xf32>
      %add3A_1080 = arith.addf %add3A_1078, %add3A_1079 : vector<512x256xf32>
      %max3A_1081 = arith.constant 0.000000e+00 : f32
      %max3A_1082 = vector.broadcast %max3A_1081 : f32 to vector<512x256xf32>
      %max3A_1083 = arith.maximumf %add3A_1080, %max3A_1082 : vector<512x256xf32>
      %convert_element_type3A_1084 = arith.truncf %max3A_1083 : vector<512x256xf32> to vector<512x256xbf16>
      %convert_element_type3A_1085 = arith.truncf %get3A_187 : vector<256x256xf32> to vector<256x256xbf16>
      %dot_general3A_1086 = arith.constant dense<0.000000e+00> : vector<512x256xf32>
      %dot_general3A_1087 = tpu.matmul %convert_element_type3A_1084, %convert_element_type3A_1085, %dot_general3A_1086 {dimension_numbers = #tpu.dot_dimension_numbers<[1], [0], [0], [1], [0, 0, 1, 1], [], []>, transpose_lhs_hint = false} : vector<512x256xbf16>, vector<256x256xbf16>, vector<512x256xf32> -> vector<512x256xf32>
      %add3A_1088 = vector.broadcast %get3A_182 : vector<1x256xf32> to vector<512x256xf32>
      %add3A_1089 = arith.addf %dot_general3A_1087, %add3A_1088 : vector<512x256xf32>
      %swap3A_1090 = arith.index_cast %mul3A_1049 : i32 to index
      %swap3A_1091 = arith.constant 0 : index
      %swap3A_1092 = vector.load %arg38[%swap3A_1090, %swap3A_1091] : memref<4096x256xf32, #tpu.memory_space<vmem>>, vector<512x256xf32>
      tpu.vector_store %arg38[%swap3A_1090, %swap3A_1091], %add3A_1089 {strides = array<i32>} : memref<4096x256xf32, #tpu.memory_space<vmem>>, vector<512x256xf32>,
    }
    %scan3A_192 = arith.constant 8 : i32
    %broadcast_in_dim3A_193 = arith.constant 0.000000e+00 : f32
    %broadcast_in_dim3A_194 = vector.broadcast %broadcast_in_dim3A_193 : f32 to vector<256x256xf32>
    %swap3A_195 = arith.constant 0 : index
    %swap3A_196 = arith.constant 0 : index
    %swap3A_197 = vector.load %arg39[%swap3A_195, %swap3A_196] : memref<256x256xf32, #tpu.memory_space<vmem>>, vector<256x256xf32>
    tpu.vector_store %arg39[%swap3A_195, %swap3A_196], %broadcast_in_dim3A_194 {strides = array<i32>} : memref<256x256xf32, #tpu.memory_space<vmem>>, vector<256x256xf32>,
    %scan3A_198 = arith.constant 0 : i32
    %scan3A_199 = arith.constant 4096 : i32
    %scan3A_200 = arith.addi %scan3A_198, %scan3A_199 : i32
    %scan3A_201 = arith.constant 8 : i32
    scf.for %scan3A_1047 = %scan3A_198 to %scan3A_200 step %scan3A_201  : i32 {
      %get3A_1048 = arith.constant 1 : index
      %get3A_1049 = arith.index_cast %scan3A_1047 : i32 to index
      %get3A_1050 = memref.load %arg0[%get3A_1048, %get3A_1049] : memref<2x4096xi32, #tpu.memory_space<smem>>
      %get3A_1051 = arith.index_cast %get3A_1050 : i32 to index
      %get3A_1052 = arith.constant 0 : index
      %get3A_1053 = vector.load %arg39[%get3A_1051, %get3A_1052] : memref<256x256xf32, #tpu.memory_space<vmem>>, vector<1x256xf32>
      %get3A_1054 = arith.index_cast %scan3A_1047 : i32 to index
      %get3A_1055 = arith.constant 0 : index
      %get3A_1056 = vector.load %arg38[%get3A_1054, %get3A_1055] : memref<4096x256xf32, #tpu.memory_space<vmem>>, vector<1x256xf32>
      %add3A_1057 = arith.addf %get3A_1053, %get3A_1056 : vector<1x256xf32>
      %swap3A_1058 = arith.index_cast %get3A_1050 : i32 to index
      %swap3A_1059 = arith.constant 0 : index
      %swap3A_1060 = vector.load %arg39[%swap3A_1058, %swap3A_1059] : memref<256x256xf32, #tpu.memory_space<vmem>>, vector<1x256xf32>
      tpu.vector_store %arg39[%swap3A_1058, %swap3A_1059], %add3A_1057 {strides = array<i32>} : memref<256x256xf32, #tpu.memory_space<vmem>>, vector<1x256xf32>,
      %scan3A_1061 = arith.constant 1 : i32
      %scan3A_1062 = arith.addi %scan3A_1047, %scan3A_1061 : i32
      %get3A_1063 = arith.constant 1 : index
      %get3A_1064 = arith.index_cast %scan3A_1062 : i32 to index
      %get3A_1065 = memref.load %arg0[%get3A_1063, %get3A_1064] : memref<2x4096xi32, #tpu.memory_space<smem>>
      %get3A_1066 = arith.index_cast %get3A_1065 : i32 to index
      %get3A_1067 = arith.constant 0 : index
      %get3A_1068 = vector.load %arg39[%get3A_1066, %get3A_1067] : memref<256x256xf32, #tpu.memory_space<vmem>>, vector<1x256xf32>
      %get3A_1069 = arith.index_cast %scan3A_1062 : i32 to index
      %get3A_1070 = arith.constant 0 : index
      %get3A_1071 = vector.load %arg38[%get3A_1069, %get3A_1070] : memref<4096x256xf32, #tpu.memory_space<vmem>>, vector<1x256xf32>
      %add3A_1072 = arith.addf %get3A_1068, %get3A_1071 : vector<1x256xf32>
      %swap3A_1073 = arith.index_cast %get3A_1065 : i32 to index
      %swap3A_1074 = arith.constant 0 : index
      %swap3A_1075 = vector.load %arg39[%swap3A_1073, %swap3A_1074] : memref<256x256xf32, #tpu.memory_space<vmem>>, vector<1x256xf32>
      tpu.vector_store %arg39[%swap3A_1073, %swap3A_1074], %add3A_1072 {strides = array<i32>} : memref<256x256xf32, #tpu.memory_space<vmem>>, vector<1x256xf32>,
      %scan3A_1076 = arith.constant 2 : i32
      %scan3A_1077 = arith.addi %scan3A_1047, %scan3A_1076 : i32
      %get3A_1078 = arith.constant 1 : index
      %get3A_1079 = arith.index_cast %scan3A_1077 : i32 to index
      %get3A_1080 = memref.load %arg0[%get3A_1078, %get3A_1079] : memref<2x4096xi32, #tpu.memory_space<smem>>
      %get3A_1081 = arith.index_cast %get3A_1080 : i32 to index
      %get3A_1082 = arith.constant 0 : index
      %get3A_1083 = vector.load %arg39[%get3A_1081, %get3A_1082] : memref<256x256xf32, #tpu.memory_space<vmem>>, vector<1x256xf32>
      %get3A_1084 = arith.index_cast %scan3A_1077 : i32 to index
      %get3A_1085 = arith.constant 0 : index
      %get3A_1086 = vector.load %arg38[%get3A_1084, %get3A_1085] : memref<4096x256xf32, #tpu.memory_space<vmem>>, vector<1x256xf32>
      %add3A_1087 = arith.addf %get3A_1083, %get3A_1086 : vector<1x256xf32>
      %swap3A_1088 = arith.index_cast %get3A_1080 : i32 to index
      %swap3A_1089 = arith.constant 0 : index
      %swap3A_1090 = vector.load %arg39[%swap3A_1088, %swap3A_1089] : memref<256x256xf32, #tpu.memory_space<vmem>>, vector<1x256xf32>
      tpu.vector_store %arg39[%swap3A_1088, %swap3A_1089], %add3A_1087 {strides = array<i32>} : memref<256x256xf32, #tpu.memory_space<vmem>>, vector<1x256xf32>,
      %scan3A_1091 = arith.constant 3 : i32
      %scan3A_1092 = arith.addi %scan3A_1047, %scan3A_1091 : i32
      %get3A_1093 = arith.constant 1 : index
      %get3A_1094 = arith.index_cast %scan3A_1092 : i32 to index
      %get3A_1095 = memref.load %arg0[%get3A_1093, %get3A_1094] : memref<2x4096xi32, #tpu.memory_space<smem>>
      %get3A_1096 = arith.index_cast %get3A_1095 : i32 to index
      %get3A_1097 = arith.constant 0 : index
      %get3A_1098 = vector.load %arg39[%get3A_1096, %get3A_1097] : memref<256x256xf32, #tpu.memory_space<vmem>>, vector<1x256xf32>
      %get3A_1099 = arith.index_cast %scan3A_1092 : i32 to index
      %get3A_1100 = arith.constant 0 : index
      %get3A_1101 = vector.load %arg38[%get3A_1099, %get3A_1100] : memref<4096x256xf32, #tpu.memory_space<vmem>>, vector<1x256xf32>
      %add3A_1102 = arith.addf %get3A_1098, %get3A_1101 : vector<1x256xf32>
      %swap3A_1103 = arith.index_cast %get3A_1095 : i32 to index
      %swap3A_1104 = arith.constant 0 : index
      %swap3A_1105 = vector.load %arg39[%swap3A_1103, %swap3A_1104] : memref<256x256xf32, #tpu.memory_space<vmem>>, vector<1x256xf32>
      tpu.vector_store %arg39[%swap3A_1103, %swap3A_1104], %add3A_1102 {strides = array<i32>} : memref<256x256xf32, #tpu.memory_space<vmem>>, vector<1x256xf32>,
      %scan3A_1106 = arith.constant 4 : i32
      %scan3A_1107 = arith.addi %scan3A_1047, %scan3A_1106 : i32
      %get3A_1108 = arith.constant 1 : index
      %get3A_1109 = arith.index_cast %scan3A_1107 : i32 to index
      %get3A_1110 = memref.load %arg0[%get3A_1108, %get3A_1109] : memref<2x4096xi32, #tpu.memory_space<smem>>
      %get3A_1111 = arith.index_cast %get3A_1110 : i32 to index
      %get3A_1112 = arith.constant 0 : index
      %get3A_1113 = vector.load %arg39[%get3A_1111, %get3A_1112] : memref<256x256xf32, #tpu.memory_space<vmem>>, vector<1x256xf32>
      %get3A_1114 = arith.index_cast %scan3A_1107 : i32 to index
      %get3A_1115 = arith.constant 0 : index
      %get3A_1116 = vector.load %arg38[%get3A_1114, %get3A_1115] : memref<4096x256xf32, #tpu.memory_space<vmem>>, vector<1x256xf32>
      %add3A_1117 = arith.addf %get3A_1113, %get3A_1116 : vector<1x256xf32>
      %swap3A_1118 = arith.index_cast %get3A_1110 : i32 to index
      %swap3A_1119 = arith.constant 0 : index
      %swap3A_1120 = vector.load %arg39[%swap3A_1118, %swap3A_1119] : memref<256x256xf32, #tpu.memory_space<vmem>>, vector<1x256xf32>
      tpu.vector_store %arg39[%swap3A_1118, %swap3A_1119], %add3A_1117 {strides = array<i32>} : memref<256x256xf32, #tpu.memory_space<vmem>>, vector<1x256xf32>,
      %scan3A_1121 = arith.constant 5 : i32
      %scan3A_1122 = arith.addi %scan3A_1047, %scan3A_1121 : i32
      %get3A_1123 = arith.constant 1 : index
      %get3A_1124 = arith.index_cast %scan3A_1122 : i32 to index
      %get3A_1125 = memref.load %arg0[%get3A_1123, %get3A_1124] : memref<2x4096xi32, #tpu.memory_space<smem>>
      %get3A_1126 = arith.index_cast %get3A_1125 : i32 to index
      %get3A_1127 = arith.constant 0 : index
      %get3A_1128 = vector.load %arg39[%get3A_1126, %get3A_1127] : memref<256x256xf32, #tpu.memory_space<vmem>>, vector<1x256xf32>
      %get3A_1129 = arith.index_cast %scan3A_1122 : i32 to index
      %get3A_1130 = arith.constant 0 : index
      %get3A_1131 = vector.load %arg38[%get3A_1129, %get3A_1130] : memref<4096x256xf32, #tpu.memory_space<vmem>>, vector<1x256xf32>
      %add3A_1132 = arith.addf %get3A_1128, %get3A_1131 : vector<1x256xf32>
      %swap3A_1133 = arith.index_cast %get3A_1125 : i32 to index
      %swap3A_1134 = arith.constant 0 : index
      %swap3A_1135 = vector.load %arg39[%swap3A_1133, %swap3A_1134] : memref<256x256xf32, #tpu.memory_space<vmem>>, vector<1x256xf32>
      tpu.vector_store %arg39[%swap3A_1133, %swap3A_1134], %add3A_1132 {strides = array<i32>} : memref<256x256xf32, #tpu.memory_space<vmem>>, vector<1x256xf32>,
      %scan3A_1136 = arith.constant 6 : i32
      %scan3A_1137 = arith.addi %scan3A_1047, %scan3A_1136 : i32
      %get3A_1138 = arith.constant 1 : index
      %get3A_1139 = arith.index_cast %scan3A_1137 : i32 to index
      %get3A_1140 = memref.load %arg0[%get3A_1138, %get3A_1139] : memref<2x4096xi32, #tpu.memory_space<smem>>
      %get3A_1141 = arith.index_cast %get3A_1140 : i32 to index
      %get3A_1142 = arith.constant 0 : index
      %get3A_1143 = vector.load %arg39[%get3A_1141, %get3A_1142] : memref<256x256xf32, #tpu.memory_space<vmem>>, vector<1x256xf32>
      %get3A_1144 = arith.index_cast %scan3A_1137 : i32 to index
      %get3A_1145 = arith.constant 0 : index
      %get3A_1146 = vector.load %arg38[%get3A_1144, %get3A_1145] : memref<4096x256xf32, #tpu.memory_space<vmem>>, vector<1x256xf32>
      %add3A_1147 = arith.addf %get3A_1143, %get3A_1146 : vector<1x256xf32>
      %swap3A_1148 = arith.index_cast %get3A_1140 : i32 to index
      %swap3A_1149 = arith.constant 0 : index
      %swap3A_1150 = vector.load %arg39[%swap3A_1148, %swap3A_1149] : memref<256x256xf32, #tpu.memory_space<vmem>>, vector<1x256xf32>
      tpu.vector_store %arg39[%swap3A_1148, %swap3A_1149], %add3A_1147 {strides = array<i32>} : memref<256x256xf32, #tpu.memory_space<vmem>>, vector<1x256xf32>,
      %scan3A_1151 = arith.constant 7 : i32
      %scan3A_1152 = arith.addi %scan3A_1047, %scan3A_1151 : i32
      %get3A_1153 = arith.constant 1 : index
      %get3A_1154 = arith.index_cast %scan3A_1152 : i32 to index
      %get3A_1155 = memref.load %arg0[%get3A_1153, %get3A_1154] : memref<2x4096xi32, #tpu.memory_space<smem>>
      %get3A_1156 = arith.index_cast %get3A_1155 : i32 to index
      %get3A_1157 = arith.constant 0 : index
      %get3A_1158 = vector.load %arg39[%get3A_1156, %get3A_1157] : memref<256x256xf32, #tpu.memory_space<vmem>>, vector<1x256xf32>
      %get3A_1159 = arith.index_cast %scan3A_1152 : i32 to index
      %get3A_1160 = arith.constant 0 : index
      %get3A_1161 = vector.load %arg38[%get3A_1159, %get3A_1160] : memref<4096x256xf32, #tpu.memory_space<vmem>>, vector<1x256xf32>
      %add3A_1162 = arith.addf %get3A_1158, %get3A_1161 : vector<1x256xf32>
      %swap3A_1163 = arith.index_cast %get3A_1155 : i32 to index
      %swap3A_1164 = arith.constant 0 : index
      %swap3A_1165 = vector.load %arg39[%swap3A_1163, %swap3A_1164] : memref<256x256xf32, #tpu.memory_space<vmem>>, vector<1x256xf32>
      tpu.vector_store %arg39[%swap3A_1163, %swap3A_1164], %add3A_1162 {strides = array<i32>} : memref<256x256xf32, #tpu.memory_space<vmem>>, vector<1x256xf32>,
    }
    %scan3A_202 = arith.constant 4096 : i32
    %get3A_203 = arith.constant 0 : index
    %get3A_204 = arith.constant 0 : index
    %get3A_205 = vector.load %arg39[%get3A_203, %get3A_204] : memref<256x256xf32, #tpu.memory_space<vmem>>, vector<256x256xf32>
    %get3A_206 = arith.constant 1 : index
    %get3A_207 = arith.constant 0 : index
    %get3A_208 = arith.constant 0 : index
    %get3A_209 = vector.load %arg12[%get3A_206, %get3A_207, %get3A_208] : memref<6x512x256xf32, #tpu.memory_space<vmem>>, vector<1x256x256xf32>
    %get3A_210 = vector.shape_cast %get3A_209 : vector<1x256x256xf32> to vector<256x256xf32>
    %convert_element_type3A_211 = arith.truncf %max3A_142 : vector<256x256xf32> to vector<256x256xbf16>
    %convert_element_type3A_212 = arith.truncf %get3A_210 : vector<256x256xf32> to vector<256x256xbf16>
    %dot_general3A_213 = arith.constant dense<0.000000e+00> : vector<256x256xf32>
    %dot_general3A_214 = tpu.matmul %convert_element_type3A_211, %convert_element_type3A_212, %dot_general3A_213 {dimension_numbers = #tpu.dot_dimension_numbers<[1], [0], [0], [1], [0, 0, 1, 1], [], []>, transpose_lhs_hint = false} : vector<256x256xbf16>, vector<256x256xbf16>, vector<256x256xf32> -> vector<256x256xf32>
    %get3A_215 = arith.constant 1 : index
    %get3A_216 = arith.constant 256 : index
    %get3A_217 = arith.constant 0 : index
    %get3A_218 = vector.load %arg12[%get3A_215, %get3A_216, %get3A_217] : memref<6x512x256xf32, #tpu.memory_space<vmem>>, vector<1x256x256xf32>
    %get3A_219 = vector.shape_cast %get3A_218 : vector<1x256x256xf32> to vector<256x256xf32>
    %convert_element_type3A_220 = arith.truncf %get3A_205 : vector<256x256xf32> to vector<256x256xbf16>
    %convert_element_type3A_221 = arith.truncf %get3A_219 : vector<256x256xf32> to vector<256x256xbf16>
    %dot_general3A_222 = arith.constant dense<0.000000e+00> : vector<256x256xf32>
    %dot_general3A_223 = tpu.matmul %convert_element_type3A_220, %convert_element_type3A_221, %dot_general3A_222 {dimension_numbers = #tpu.dot_dimension_numbers<[1], [0], [0], [1], [0, 0, 1, 1], [], []>, transpose_lhs_hint = false} : vector<256x256xbf16>, vector<256x256xbf16>, vector<256x256xf32> -> vector<256x256xf32>
    %add3A_224 = arith.addf %dot_general3A_214, %dot_general3A_223 : vector<256x256xf32>
    %get3A_225 = arith.constant 1 : index
    %get3A_226 = arith.constant 0 : index
    %get3A_227 = arith.constant 0 : index
    %get3A_228 = vector.load %arg13[%get3A_225, %get3A_226, %get3A_227] : memref<6x1x256xf32, #tpu.memory_space<vmem>>, vector<1x1x256xf32>
    %get3A_229 = vector.shape_cast %get3A_228 : vector<1x1x256xf32> to vector<1x256xf32>
    %add3A_230 = vector.broadcast %get3A_229 : vector<1x256xf32> to vector<256x256xf32>
    %add3A_231 = arith.addf %add3A_224, %add3A_230 : vector<256x256xf32>
    %max3A_232 = arith.constant 0.000000e+00 : f32
    %max3A_233 = vector.broadcast %max3A_232 : f32 to vector<256x256xf32>
    %max3A_234 = arith.maximumf %add3A_231, %max3A_233 : vector<256x256xf32>
    %get3A_235 = arith.constant 1 : index
    %get3A_236 = arith.constant 0 : index
    %get3A_237 = arith.constant 0 : index
    %get3A_238 = vector.load %arg14[%get3A_235, %get3A_236, %get3A_237] : memref<6x256x256xf32, #tpu.memory_space<vmem>>, vector<1x256x256xf32>
    %get3A_239 = vector.shape_cast %get3A_238 : vector<1x256x256xf32> to vector<256x256xf32>
    %convert_element_type3A_240 = arith.truncf %max3A_234 : vector<256x256xf32> to vector<256x256xbf16>
    %convert_element_type3A_241 = arith.truncf %get3A_239 : vector<256x256xf32> to vector<256x256xbf16>
    %dot_general3A_242 = arith.constant dense<0.000000e+00> : vector<256x256xf32>
    %dot_general3A_243 = tpu.matmul %convert_element_type3A_240, %convert_element_type3A_241, %dot_general3A_242 {dimension_numbers = #tpu.dot_dimension_numbers<[1], [0], [0], [1], [0, 0, 1, 1], [], []>, transpose_lhs_hint = false} : vector<256x256xbf16>, vector<256x256xbf16>, vector<256x256xf32> -> vector<256x256xf32>
    %get3A_244 = arith.constant 1 : index
    %get3A_245 = arith.constant 0 : index
    %get3A_246 = arith.constant 0 : index
    %get3A_247 = vector.load %arg15[%get3A_244, %get3A_245, %get3A_246] : memref<6x1x256xf32, #tpu.memory_space<vmem>>, vector<1x1x256xf32>
    %get3A_248 = vector.shape_cast %get3A_247 : vector<1x1x256xf32> to vector<1x256xf32>
    %add3A_249 = vector.broadcast %get3A_248 : vector<1x256xf32> to vector<256x256xf32>
    %add3A_250 = arith.addf %dot_general3A_243, %add3A_249 : vector<256x256xf32>
    %reduce_sum3A_251 = arith.constant dense<0.000000e+00> : vector<256xf32>
    %reduce_sum3A_252 = vector.multi_reduction <add>, %add3A_250, %reduce_sum3A_251 [1] : vector<256x256xf32> to vector<256xf32>
    %broadcast_in_dim3A_253 = vector.shape_cast %reduce_sum3A_252 : vector<256xf32> to vector<256x1xf32>
    %div3A_254 = arith.constant 2.560000e+02 : f32
    %div3A_255 = vector.broadcast %div3A_254 : f32 to vector<256x1xf32>
    %div3A_256 = arith.divf %broadcast_in_dim3A_253, %div3A_255 : vector<256x1xf32>
    %sub3A_257 = vector.broadcast %div3A_256 : vector<256x1xf32> to vector<256x256xf32>
    %sub3A_258 = arith.subf %add3A_250, %sub3A_257 : vector<256x256xf32>
    %integer_pow3A_259 = arith.mulf %sub3A_258, %sub3A_258 : vector<256x256xf32>
    %reduce_sum3A_260 = arith.constant dense<0.000000e+00> : vector<256xf32>
    %reduce_sum3A_261 = vector.multi_reduction <add>, %integer_pow3A_259, %reduce_sum3A_260 [1] : vector<256x256xf32> to vector<256xf32>
    %broadcast_in_dim3A_262 = vector.shape_cast %reduce_sum3A_261 : vector<256xf32> to vector<256x1xf32>
    %div3A_263 = arith.constant 2.560000e+02 : f32
    %div3A_264 = vector.broadcast %div3A_263 : f32 to vector<256x1xf32>
    %div3A_265 = arith.divf %broadcast_in_dim3A_262, %div3A_264 : vector<256x1xf32>
    %sub3A_266 = vector.broadcast %div3A_256 : vector<256x1xf32> to vector<256x256xf32>
    %sub3A_267 = arith.subf %add3A_250, %sub3A_266 : vector<256x256xf32>
    %add3A_268 = arith.constant 9.99999974E-6 : f32
    %add3A_269 = vector.broadcast %add3A_268 : f32 to vector<256x1xf32>
    %add3A_270 = arith.addf %div3A_265, %add3A_269 : vector<256x1xf32>
    %sqrt3A_271 = math.sqrt %add3A_270 : vector<256x1xf32>
    %div3A_272 = vector.broadcast %sqrt3A_271 : vector<256x1xf32> to vector<256x256xf32>
    %div3A_273 = arith.divf %sub3A_267, %div3A_272 : vector<256x256xf32>
    %get3A_274 = arith.constant 1 : index
    %get3A_275 = arith.constant 0 : index
    %get3A_276 = arith.constant 0 : index
    %get3A_277 = vector.load %arg16[%get3A_274, %get3A_275, %get3A_276] : memref<6x1x256xf32, #tpu.memory_space<vmem>>, vector<1x1x256xf32>
    %get3A_278 = vector.shape_cast %get3A_277 : vector<1x1x256xf32> to vector<1x256xf32>
    %mul3A_279 = vector.broadcast %get3A_278 : vector<1x256xf32> to vector<256x256xf32>
    %mul3A_280 = arith.mulf %div3A_273, %mul3A_279 : vector<256x256xf32>
    %get3A_281 = arith.constant 1 : index
    %get3A_282 = arith.constant 0 : index
    %get3A_283 = arith.constant 0 : index
    %get3A_284 = vector.load %arg17[%get3A_281, %get3A_282, %get3A_283] : memref<6x1x256xf32, #tpu.memory_space<vmem>>, vector<1x1x256xf32>
    %get3A_285 = vector.shape_cast %get3A_284 : vector<1x1x256xf32> to vector<1x256xf32>
    %add3A_286 = vector.broadcast %get3A_285 : vector<1x256xf32> to vector<256x256xf32>
    %add3A_287 = arith.addf %mul3A_280, %add3A_286 : vector<256x256xf32>
    %add3A_288 = arith.addf %add3A_287, %max3A_142 : vector<256x256xf32>
    %max3A_289 = arith.constant 0.000000e+00 : f32
    %max3A_290 = vector.broadcast %max3A_289 : f32 to vector<256x256xf32>
    %max3A_291 = arith.maximumf %add3A_288, %max3A_290 : vector<256x256xf32>
    %get3A_292 = arith.constant 2 : index
    %get3A_293 = arith.constant 0 : index
    %get3A_294 = arith.constant 0 : index
    %get3A_295 = vector.load %arg8[%get3A_292, %get3A_293, %get3A_294] : memref<6x512x256xf32, #tpu.memory_space<vmem>>, vector<1x256x256xf32>
    %get3A_296 = vector.shape_cast %get3A_295 : vector<1x256x256xf32> to vector<256x256xf32>
    %get3A_297 = arith.constant 2 : index
    %get3A_298 = arith.constant 256 : index
    %get3A_299 = arith.constant 0 : index
    %get3A_300 = vector.load %arg8[%get3A_297, %get3A_298, %get3A_299] : memref<6x512x256xf32, #tpu.memory_space<vmem>>, vector<1x256x256xf32>
    %get3A_301 = vector.shape_cast %get3A_300 : vector<1x256x256xf32> to vector<256x256xf32>
    %get3A_302 = arith.constant 2 : index
    %get3A_303 = arith.constant 0 : index
    %get3A_304 = arith.constant 0 : index
    %get3A_305 = vector.load %arg4[%get3A_302, %get3A_303, %get3A_304] : memref<6x256x256xf32, #tpu.memory_space<vmem>>, vector<1x256x256xf32>
    %get3A_306 = vector.shape_cast %get3A_305 : vector<1x256x256xf32> to vector<256x256xf32>
    %convert_element_type3A_307 = arith.truncf %max3A_291 : vector<256x256xf32> to vector<256x256xbf16>
    %convert_element_type3A_308 = arith.truncf %get3A_306 : vector<256x256xf32> to vector<256x256xbf16>
    %dot_general3A_309 = arith.constant dense<0.000000e+00> : vector<256x256xf32>
    %dot_general3A_310 = tpu.matmul %convert_element_type3A_307, %convert_element_type3A_308, %dot_general3A_309 {dimension_numbers = #tpu.dot_dimension_numbers<[1], [0], [0], [1], [0, 0, 1, 1], [], []>, transpose_lhs_hint = false} : vector<256x256xbf16>, vector<256x256xbf16>, vector<256x256xf32> -> vector<256x256xf32>
    %get3A_311 = arith.constant 2 : index
    %get3A_312 = arith.constant 0 : index
    %get3A_313 = arith.constant 0 : index
    %get3A_314 = vector.load %arg5[%get3A_311, %get3A_312, %get3A_313] : memref<6x1x256xf32, #tpu.memory_space<vmem>>, vector<1x1x256xf32>
    %get3A_315 = vector.shape_cast %get3A_314 : vector<1x1x256xf32> to vector<1x256xf32>
    %add3A_316 = vector.broadcast %get3A_315 : vector<1x256xf32> to vector<256x256xf32>
    %add3A_317 = arith.addf %dot_general3A_310, %add3A_316 : vector<256x256xf32>
    %convert_element_type3A_318 = arith.truncf %add3A_317 : vector<256x256xf32> to vector<256x256xbf16>
    %convert_element_type3A_319 = arith.truncf %get3A_296 : vector<256x256xf32> to vector<256x256xbf16>
    %dot_general3A_320 = arith.constant dense<0.000000e+00> : vector<256x256xf32>
    %dot_general3A_321 = tpu.matmul %convert_element_type3A_318, %convert_element_type3A_319, %dot_general3A_320 {dimension_numbers = #tpu.dot_dimension_numbers<[1], [0], [0], [1], [0, 0, 1, 1], [], []>, transpose_lhs_hint = false} : vector<256x256xbf16>, vector<256x256xbf16>, vector<256x256xf32> -> vector<256x256xf32>
    %get3A_322 = arith.constant 2 : index
    %get3A_323 = arith.constant 0 : index
    %get3A_324 = arith.constant 0 : index
    %get3A_325 = vector.load %arg9[%get3A_322, %get3A_323, %get3A_324] : memref<6x1x256xf32, #tpu.memory_space<vmem>>, vector<1x1x256xf32>
    %get3A_326 = vector.shape_cast %get3A_325 : vector<1x1x256xf32> to vector<1x256xf32>
    %get3A_327 = arith.constant 2 : index
    %get3A_328 = arith.constant 0 : index
    %get3A_329 = arith.constant 0 : index
    %get3A_330 = vector.load %arg11[%get3A_327, %get3A_328, %get3A_329] : memref<6x1x256xf32, #tpu.memory_space<vmem>>, vector<1x1x256xf32>
    %get3A_331 = vector.shape_cast %get3A_330 : vector<1x1x256xf32> to vector<1x256xf32>
    %get3A_332 = arith.constant 2 : index
    %get3A_333 = arith.constant 0 : index
    %get3A_334 = arith.constant 0 : index
    %get3A_335 = vector.load %arg10[%get3A_332, %get3A_333, %get3A_334] : memref<6x256x256xf32, #tpu.memory_space<vmem>>, vector<1x256x256xf32>
    %get3A_336 = vector.shape_cast %get3A_335 : vector<1x256x256xf32> to vector<256x256xf32>
    %scan3A_337 = arith.constant 0 : i32
    %scan3A_338 = arith.constant 8 : i32
    %scan3A_339 = arith.addi %scan3A_337, %scan3A_338 : i32
    %scan3A_340 = arith.constant 1 : i32
    scf.for %scan3A_1047 = %scan3A_337 to %scan3A_339 step %scan3A_340  : i32 {
      %mul3A_1048 = arith.constant 512 : i32
      %mul3A_1049 = arith.muli %scan3A_1047, %mul3A_1048 : i32
      %get3A_1050 = arith.index_cast %mul3A_1049 : i32 to index
      %get3A_1051 = arith.constant 0 : index
      %get3A_1052 = vector.load %arg37[%get3A_1050, %get3A_1051] : memref<4096x256xf32, #tpu.memory_space<vmem>>, vector<512x256xf32>
      %get3A_1053 = arith.index_cast %mul3A_1049 : i32 to index
      %get3A_1054 = arith.constant 0 : index
      %get3A_1055 = vector.load %arg2[%get3A_1053, %get3A_1054] : memref<4096x16xf32, #tpu.memory_space<vmem>>, vector<512x16xf32>
      %get3A_1056 = arith.constant 2 : index
      %get3A_1057 = arith.constant 0 : index
      %get3A_1058 = arith.constant 0 : index
      %get3A_1059 = vector.load %arg6[%get3A_1056, %get3A_1057, %get3A_1058] : memref<6x16x256xf32, #tpu.memory_space<vmem>>, vector<1x16x256xf32>
      %get3A_1060 = vector.shape_cast %get3A_1059 : vector<1x16x256xf32> to vector<16x256xf32>
      %convert_element_type3A_1061 = arith.truncf %get3A_1055 : vector<512x16xf32> to vector<512x16xbf16>
      %convert_element_type3A_1062 = arith.truncf %get3A_1060 : vector<16x256xf32> to vector<16x256xbf16>
      %dot_general3A_1063 = arith.constant dense<0.000000e+00> : vector<512x256xf32>
      %dot_general3A_1064 = tpu.matmul %convert_element_type3A_1061, %convert_element_type3A_1062, %dot_general3A_1063 {dimension_numbers = #tpu.dot_dimension_numbers<[1], [0], [0], [1], [0, 0, 1, 1], [], []>, transpose_lhs_hint = false} : vector<512x16xbf16>, vector<16x256xbf16>, vector<512x256xf32> -> vector<512x256xf32>
      %get3A_1065 = arith.constant 2 : index
      %get3A_1066 = arith.constant 0 : index
      %get3A_1067 = arith.constant 0 : index
      %get3A_1068 = vector.load %arg7[%get3A_1065, %get3A_1066, %get3A_1067] : memref<6x1x256xf32, #tpu.memory_space<vmem>>, vector<1x1x256xf32>
      %get3A_1069 = vector.shape_cast %get3A_1068 : vector<1x1x256xf32> to vector<1x256xf32>
      %add3A_1070 = vector.broadcast %get3A_1069 : vector<1x256xf32> to vector<512x256xf32>
      %add3A_1071 = arith.addf %dot_general3A_1064, %add3A_1070 : vector<512x256xf32>
      %convert_element_type3A_1072 = arith.truncf %add3A_1071 : vector<512x256xf32> to vector<512x256xbf16>
      %convert_element_type3A_1073 = arith.truncf %get3A_301 : vector<256x256xf32> to vector<256x256xbf16>
      %dot_general3A_1074 = arith.constant dense<0.000000e+00> : vector<512x256xf32>
      %dot_general3A_1075 = tpu.matmul %convert_element_type3A_1072, %convert_element_type3A_1073, %dot_general3A_1074 {dimension_numbers = #tpu.dot_dimension_numbers<[1], [0], [0], [1], [0, 0, 1, 1], [], []>, transpose_lhs_hint = false} : vector<512x256xbf16>, vector<256x256xbf16>, vector<512x256xf32> -> vector<512x256xf32>
      %dot_general3A_1076 = arith.constant dense<0.000000e+00> : vector<512x256xf32>
      %dot_general3A_1077 = tpu.matmul %get3A_1052, %dot_general3A_321, %dot_general3A_1076 {dimension_numbers = #tpu.dot_dimension_numbers<[1], [0], [0], [1], [0, 0, 1, 1], [], []>, precision = #tpu.contract_precision<fp32>, transpose_lhs_hint = false} : vector<512x256xf32>, vector<256x256xf32>, vector<512x256xf32> -> vector<512x256xf32>
      %add3A_1078 = arith.addf %dot_general3A_1077, %dot_general3A_1075 : vector<512x256xf32>
      %add3A_1079 = vector.broadcast %get3A_326 : vector<1x256xf32> to vector<512x256xf32>
      %add3A_1080 = arith.addf %add3A_1078, %add3A_1079 : vector<512x256xf32>
      %max3A_1081 = arith.constant 0.000000e+00 : f32
      %max3A_1082 = vector.broadcast %max3A_1081 : f32 to vector<512x256xf32>
      %max3A_1083 = arith.maximumf %add3A_1080, %max3A_1082 : vector<512x256xf32>
      %convert_element_type3A_1084 = arith.truncf %max3A_1083 : vector<512x256xf32> to vector<512x256xbf16>
      %convert_element_type3A_1085 = arith.truncf %get3A_336 : vector<256x256xf32> to vector<256x256xbf16>
      %dot_general3A_1086 = arith.constant dense<0.000000e+00> : vector<512x256xf32>
      %dot_general3A_1087 = tpu.matmul %convert_element_type3A_1084, %convert_element_type3A_1085, %dot_general3A_1086 {dimension_numbers = #tpu.dot_dimension_numbers<[1], [0], [0], [1], [0, 0, 1, 1], [], []>, transpose_lhs_hint = false} : vector<512x256xbf16>, vector<256x256xbf16>, vector<512x256xf32> -> vector<512x256xf32>
      %add3A_1088 = vector.broadcast %get3A_331 : vector<1x256xf32> to vector<512x256xf32>
      %add3A_1089 = arith.addf %dot_general3A_1087, %add3A_1088 : vector<512x256xf32>
      %swap3A_1090 = arith.index_cast %mul3A_1049 : i32 to index
      %swap3A_1091 = arith.constant 0 : index
      %swap3A_1092 = vector.load %arg38[%swap3A_1090, %swap3A_1091] : memref<4096x256xf32, #tpu.memory_space<vmem>>, vector<512x256xf32>
      tpu.vector_store %arg38[%swap3A_1090, %swap3A_1091], %add3A_1089 {strides = array<i32>} : memref<4096x256xf32, #tpu.memory_space<vmem>>, vector<512x256xf32>,
    }
    %scan3A_341 = arith.constant 8 : i32
    %broadcast_in_dim3A_342 = arith.constant 0.000000e+00 : f32
    %broadcast_in_dim3A_343 = vector.broadcast %broadcast_in_dim3A_342 : f32 to vector<256x256xf32>
    %swap3A_344 = arith.constant 0 : index
    %swap3A_345 = arith.constant 0 : index
    %swap3A_346 = vector.load %arg39[%swap3A_344, %swap3A_345] : memref<256x256xf32, #tpu.memory_space<vmem>>, vector<256x256xf32>
    tpu.vector_store %arg39[%swap3A_344, %swap3A_345], %broadcast_in_dim3A_343 {strides = array<i32>} : memref<256x256xf32, #tpu.memory_space<vmem>>, vector<256x256xf32>,
    %scan3A_347 = arith.constant 0 : i32
    %scan3A_348 = arith.constant 4096 : i32
    %scan3A_349 = arith.addi %scan3A_347, %scan3A_348 : i32
    %scan3A_350 = arith.constant 8 : i32
    scf.for %scan3A_1047 = %scan3A_347 to %scan3A_349 step %scan3A_350  : i32 {
      %get3A_1048 = arith.constant 1 : index
      %get3A_1049 = arith.index_cast %scan3A_1047 : i32 to index
      %get3A_1050 = memref.load %arg0[%get3A_1048, %get3A_1049] : memref<2x4096xi32, #tpu.memory_space<smem>>
      %get3A_1051 = arith.index_cast %get3A_1050 : i32 to index
      %get3A_1052 = arith.constant 0 : index
      %get3A_1053 = vector.load %arg39[%get3A_1051, %get3A_1052] : memref<256x256xf32, #tpu.memory_space<vmem>>, vector<1x256xf32>
      %get3A_1054 = arith.index_cast %scan3A_1047 : i32 to index
      %get3A_1055 = arith.constant 0 : index
      %get3A_1056 = vector.load %arg38[%get3A_1054, %get3A_1055] : memref<4096x256xf32, #tpu.memory_space<vmem>>, vector<1x256xf32>
      %add3A_1057 = arith.addf %get3A_1053, %get3A_1056 : vector<1x256xf32>
      %swap3A_1058 = arith.index_cast %get3A_1050 : i32 to index
      %swap3A_1059 = arith.constant 0 : index
      %swap3A_1060 = vector.load %arg39[%swap3A_1058, %swap3A_1059] : memref<256x256xf32, #tpu.memory_space<vmem>>, vector<1x256xf32>
      tpu.vector_store %arg39[%swap3A_1058, %swap3A_1059], %add3A_1057 {strides = array<i32>} : memref<256x256xf32, #tpu.memory_space<vmem>>, vector<1x256xf32>,
      %scan3A_1061 = arith.constant 1 : i32
      %scan3A_1062 = arith.addi %scan3A_1047, %scan3A_1061 : i32
      %get3A_1063 = arith.constant 1 : index
      %get3A_1064 = arith.index_cast %scan3A_1062 : i32 to index
      %get3A_1065 = memref.load %arg0[%get3A_1063, %get3A_1064] : memref<2x4096xi32, #tpu.memory_space<smem>>
      %get3A_1066 = arith.index_cast %get3A_1065 : i32 to index
      %get3A_1067 = arith.constant 0 : index
      %get3A_1068 = vector.load %arg39[%get3A_1066, %get3A_1067] : memref<256x256xf32, #tpu.memory_space<vmem>>, vector<1x256xf32>
      %get3A_1069 = arith.index_cast %scan3A_1062 : i32 to index
      %get3A_1070 = arith.constant 0 : index
      %get3A_1071 = vector.load %arg38[%get3A_1069, %get3A_1070] : memref<4096x256xf32, #tpu.memory_space<vmem>>, vector<1x256xf32>
      %add3A_1072 = arith.addf %get3A_1068, %get3A_1071 : vector<1x256xf32>
      %swap3A_1073 = arith.index_cast %get3A_1065 : i32 to index
      %swap3A_1074 = arith.constant 0 : index
      %swap3A_1075 = vector.load %arg39[%swap3A_1073, %swap3A_1074] : memref<256x256xf32, #tpu.memory_space<vmem>>, vector<1x256xf32>
      tpu.vector_store %arg39[%swap3A_1073, %swap3A_1074], %add3A_1072 {strides = array<i32>} : memref<256x256xf32, #tpu.memory_space<vmem>>, vector<1x256xf32>,
      %scan3A_1076 = arith.constant 2 : i32
      %scan3A_1077 = arith.addi %scan3A_1047, %scan3A_1076 : i32
      %get3A_1078 = arith.constant 1 : index
      %get3A_1079 = arith.index_cast %scan3A_1077 : i32 to index
      %get3A_1080 = memref.load %arg0[%get3A_1078, %get3A_1079] : memref<2x4096xi32, #tpu.memory_space<smem>>
      %get3A_1081 = arith.index_cast %get3A_1080 : i32 to index
      %get3A_1082 = arith.constant 0 : index
      %get3A_1083 = vector.load %arg39[%get3A_1081, %get3A_1082] : memref<256x256xf32, #tpu.memory_space<vmem>>, vector<1x256xf32>
      %get3A_1084 = arith.index_cast %scan3A_1077 : i32 to index
      %get3A_1085 = arith.constant 0 : index
      %get3A_1086 = vector.load %arg38[%get3A_1084, %get3A_1085] : memref<4096x256xf32, #tpu.memory_space<vmem>>, vector<1x256xf32>
      %add3A_1087 = arith.addf %get3A_1083, %get3A_1086 : vector<1x256xf32>
      %swap3A_1088 = arith.index_cast %get3A_1080 : i32 to index
      %swap3A_1089 = arith.constant 0 : index
      %swap3A_1090 = vector.load %arg39[%swap3A_1088, %swap3A_1089] : memref<256x256xf32, #tpu.memory_space<vmem>>, vector<1x256xf32>
      tpu.vector_store %arg39[%swap3A_1088, %swap3A_1089], %add3A_1087 {strides = array<i32>} : memref<256x256xf32, #tpu.memory_space<vmem>>, vector<1x256xf32>,
      %scan3A_1091 = arith.constant 3 : i32
      %scan3A_1092 = arith.addi %scan3A_1047, %scan3A_1091 : i32
      %get3A_1093 = arith.constant 1 : index
      %get3A_1094 = arith.index_cast %scan3A_1092 : i32 to index
      %get3A_1095 = memref.load %arg0[%get3A_1093, %get3A_1094] : memref<2x4096xi32, #tpu.memory_space<smem>>
      %get3A_1096 = arith.index_cast %get3A_1095 : i32 to index
      %get3A_1097 = arith.constant 0 : index
      %get3A_1098 = vector.load %arg39[%get3A_1096, %get3A_1097] : memref<256x256xf32, #tpu.memory_space<vmem>>, vector<1x256xf32>
      %get3A_1099 = arith.index_cast %scan3A_1092 : i32 to index
      %get3A_1100 = arith.constant 0 : index
      %get3A_1101 = vector.load %arg38[%get3A_1099, %get3A_1100] : memref<4096x256xf32, #tpu.memory_space<vmem>>, vector<1x256xf32>
      %add3A_1102 = arith.addf %get3A_1098, %get3A_1101 : vector<1x256xf32>
      %swap3A_1103 = arith.index_cast %get3A_1095 : i32 to index
      %swap3A_1104 = arith.constant 0 : index
      %swap3A_1105 = vector.load %arg39[%swap3A_1103, %swap3A_1104] : memref<256x256xf32, #tpu.memory_space<vmem>>, vector<1x256xf32>
      tpu.vector_store %arg39[%swap3A_1103, %swap3A_1104], %add3A_1102 {strides = array<i32>} : memref<256x256xf32, #tpu.memory_space<vmem>>, vector<1x256xf32>,
      %scan3A_1106 = arith.constant 4 : i32
      %scan3A_1107 = arith.addi %scan3A_1047, %scan3A_1106 : i32
      %get3A_1108 = arith.constant 1 : index
      %get3A_1109 = arith.index_cast %scan3A_1107 : i32 to index
      %get3A_1110 = memref.load %arg0[%get3A_1108, %get3A_1109] : memref<2x4096xi32, #tpu.memory_space<smem>>
      %get3A_1111 = arith.index_cast %get3A_1110 : i32 to index
      %get3A_1112 = arith.constant 0 : index
      %get3A_1113 = vector.load %arg39[%get3A_1111, %get3A_1112] : memref<256x256xf32, #tpu.memory_space<vmem>>, vector<1x256xf32>
      %get3A_1114 = arith.index_cast %scan3A_1107 : i32 to index
      %get3A_1115 = arith.constant 0 : index
      %get3A_1116 = vector.load %arg38[%get3A_1114, %get3A_1115] : memref<4096x256xf32, #tpu.memory_space<vmem>>, vector<1x256xf32>
      %add3A_1117 = arith.addf %get3A_1113, %get3A_1116 : vector<1x256xf32>
      %swap3A_1118 = arith.index_cast %get3A_1110 : i32 to index
      %swap3A_1119 = arith.constant 0 : index
      %swap3A_1120 = vector.load %arg39[%swap3A_1118, %swap3A_1119] : memref<256x256xf32, #tpu.memory_space<vmem>>, vector<1x256xf32>
      tpu.vector_store %arg39[%swap3A_1118, %swap3A_1119], %add3A_1117 {strides = array<i32>} : memref<256x256xf32, #tpu.memory_space<vmem>>, vector<1x256xf32>,
      %scan3A_1121 = arith.constant 5 : i32
      %scan3A_1122 = arith.addi %scan3A_1047, %scan3A_1121 : i32
      %get3A_1123 = arith.constant 1 : index
      %get3A_1124 = arith.index_cast %scan3A_1122 : i32 to index
      %get3A_1125 = memref.load %arg0[%get3A_1123, %get3A_1124] : memref<2x4096xi32, #tpu.memory_space<smem>>
      %get3A_1126 = arith.index_cast %get3A_1125 : i32 to index
      %get3A_1127 = arith.constant 0 : index
      %get3A_1128 = vector.load %arg39[%get3A_1126, %get3A_1127] : memref<256x256xf32, #tpu.memory_space<vmem>>, vector<1x256xf32>
      %get3A_1129 = arith.index_cast %scan3A_1122 : i32 to index
      %get3A_1130 = arith.constant 0 : index
      %get3A_1131 = vector.load %arg38[%get3A_1129, %get3A_1130] : memref<4096x256xf32, #tpu.memory_space<vmem>>, vector<1x256xf32>
      %add3A_1132 = arith.addf %get3A_1128, %get3A_1131 : vector<1x256xf32>
      %swap3A_1133 = arith.index_cast %get3A_1125 : i32 to index
      %swap3A_1134 = arith.constant 0 : index
      %swap3A_1135 = vector.load %arg39[%swap3A_1133, %swap3A_1134] : memref<256x256xf32, #tpu.memory_space<vmem>>, vector<1x256xf32>
      tpu.vector_store %arg39[%swap3A_1133, %swap3A_1134], %add3A_1132 {strides = array<i32>} : memref<256x256xf32, #tpu.memory_space<vmem>>, vector<1x256xf32>,
      %scan3A_1136 = arith.constant 6 : i32
      %scan3A_1137 = arith.addi %scan3A_1047, %scan3A_1136 : i32
      %get3A_1138 = arith.constant 1 : index
      %get3A_1139 = arith.index_cast %scan3A_1137 : i32 to index
      %get3A_1140 = memref.load %arg0[%get3A_1138, %get3A_1139] : memref<2x4096xi32, #tpu.memory_space<smem>>
      %get3A_1141 = arith.index_cast %get3A_1140 : i32 to index
      %get3A_1142 = arith.constant 0 : index
      %get3A_1143 = vector.load %arg39[%get3A_1141, %get3A_1142] : memref<256x256xf32, #tpu.memory_space<vmem>>, vector<1x256xf32>
      %get3A_1144 = arith.index_cast %scan3A_1137 : i32 to index
      %get3A_1145 = arith.constant 0 : index
      %get3A_1146 = vector.load %arg38[%get3A_1144, %get3A_1145] : memref<4096x256xf32, #tpu.memory_space<vmem>>, vector<1x256xf32>
      %add3A_1147 = arith.addf %get3A_1143, %get3A_1146 : vector<1x256xf32>
      %swap3A_1148 = arith.index_cast %get3A_1140 : i32 to index
      %swap3A_1149 = arith.constant 0 : index
      %swap3A_1150 = vector.load %arg39[%swap3A_1148, %swap3A_1149] : memref<256x256xf32, #tpu.memory_space<vmem>>, vector<1x256xf32>
      tpu.vector_store %arg39[%swap3A_1148, %swap3A_1149], %add3A_1147 {strides = array<i32>} : memref<256x256xf32, #tpu.memory_space<vmem>>, vector<1x256xf32>,
      %scan3A_1151 = arith.constant 7 : i32
      %scan3A_1152 = arith.addi %scan3A_1047, %scan3A_1151 : i32
      %get3A_1153 = arith.constant 1 : index
      %get3A_1154 = arith.index_cast %scan3A_1152 : i32 to index
      %get3A_1155 = memref.load %arg0[%get3A_1153, %get3A_1154] : memref<2x4096xi32, #tpu.memory_space<smem>>
      %get3A_1156 = arith.index_cast %get3A_1155 : i32 to index
      %get3A_1157 = arith.constant 0 : index
      %get3A_1158 = vector.load %arg39[%get3A_1156, %get3A_1157] : memref<256x256xf32, #tpu.memory_space<vmem>>, vector<1x256xf32>
      %get3A_1159 = arith.index_cast %scan3A_1152 : i32 to index
      %get3A_1160 = arith.constant 0 : index
      %get3A_1161 = vector.load %arg38[%get3A_1159, %get3A_1160] : memref<4096x256xf32, #tpu.memory_space<vmem>>, vector<1x256xf32>
      %add3A_1162 = arith.addf %get3A_1158, %get3A_1161 : vector<1x256xf32>
      %swap3A_1163 = arith.index_cast %get3A_1155 : i32 to index
      %swap3A_1164 = arith.constant 0 : index
      %swap3A_1165 = vector.load %arg39[%swap3A_1163, %swap3A_1164] : memref<256x256xf32, #tpu.memory_space<vmem>>, vector<1x256xf32>
      tpu.vector_store %arg39[%swap3A_1163, %swap3A_1164], %add3A_1162 {strides = array<i32>} : memref<256x256xf32, #tpu.memory_space<vmem>>, vector<1x256xf32>,
    }
    %scan3A_351 = arith.constant 4096 : i32
    %get3A_352 = arith.constant 0 : index
    %get3A_353 = arith.constant 0 : index
    %get3A_354 = vector.load %arg39[%get3A_352, %get3A_353] : memref<256x256xf32, #tpu.memory_space<vmem>>, vector<256x256xf32>
    %get3A_355 = arith.constant 2 : index
    %get3A_356 = arith.constant 0 : index
    %get3A_357 = arith.constant 0 : index
    %get3A_358 = vector.load %arg12[%get3A_355, %get3A_356, %get3A_357] : memref<6x512x256xf32, #tpu.memory_space<vmem>>, vector<1x256x256xf32>
    %get3A_359 = vector.shape_cast %get3A_358 : vector<1x256x256xf32> to vector<256x256xf32>
    %convert_element_type3A_360 = arith.truncf %max3A_291 : vector<256x256xf32> to vector<256x256xbf16>
    %convert_element_type3A_361 = arith.truncf %get3A_359 : vector<256x256xf32> to vector<256x256xbf16>
    %dot_general3A_362 = arith.constant dense<0.000000e+00> : vector<256x256xf32>
    %dot_general3A_363 = tpu.matmul %convert_element_type3A_360, %convert_element_type3A_361, %dot_general3A_362 {dimension_numbers = #tpu.dot_dimension_numbers<[1], [0], [0], [1], [0, 0, 1, 1], [], []>, transpose_lhs_hint = false} : vector<256x256xbf16>, vector<256x256xbf16>, vector<256x256xf32> -> vector<256x256xf32>
    %get3A_364 = arith.constant 2 : index
    %get3A_365 = arith.constant 256 : index
    %get3A_366 = arith.constant 0 : index
    %get3A_367 = vector.load %arg12[%get3A_364, %get3A_365, %get3A_366] : memref<6x512x256xf32, #tpu.memory_space<vmem>>, vector<1x256x256xf32>
    %get3A_368 = vector.shape_cast %get3A_367 : vector<1x256x256xf32> to vector<256x256xf32>
    %convert_element_type3A_369 = arith.truncf %get3A_354 : vector<256x256xf32> to vector<256x256xbf16>
    %convert_element_type3A_370 = arith.truncf %get3A_368 : vector<256x256xf32> to vector<256x256xbf16>
    %dot_general3A_371 = arith.constant dense<0.000000e+00> : vector<256x256xf32>
    %dot_general3A_372 = tpu.matmul %convert_element_type3A_369, %convert_element_type3A_370, %dot_general3A_371 {dimension_numbers = #tpu.dot_dimension_numbers<[1], [0], [0], [1], [0, 0, 1, 1], [], []>, transpose_lhs_hint = false} : vector<256x256xbf16>, vector<256x256xbf16>, vector<256x256xf32> -> vector<256x256xf32>
    %add3A_373 = arith.addf %dot_general3A_363, %dot_general3A_372 : vector<256x256xf32>
    %get3A_374 = arith.constant 2 : index
    %get3A_375 = arith.constant 0 : index
    %get3A_376 = arith.constant 0 : index
    %get3A_377 = vector.load %arg13[%get3A_374, %get3A_375, %get3A_376] : memref<6x1x256xf32, #tpu.memory_space<vmem>>, vector<1x1x256xf32>
    %get3A_378 = vector.shape_cast %get3A_377 : vector<1x1x256xf32> to vector<1x256xf32>
    %add3A_379 = vector.broadcast %get3A_378 : vector<1x256xf32> to vector<256x256xf32>
    %add3A_380 = arith.addf %add3A_373, %add3A_379 : vector<256x256xf32>
    %max3A_381 = arith.constant 0.000000e+00 : f32
    %max3A_382 = vector.broadcast %max3A_381 : f32 to vector<256x256xf32>
    %max3A_383 = arith.maximumf %add3A_380, %max3A_382 : vector<256x256xf32>
    %get3A_384 = arith.constant 2 : index
    %get3A_385 = arith.constant 0 : index
    %get3A_386 = arith.constant 0 : index
    %get3A_387 = vector.load %arg14[%get3A_384, %get3A_385, %get3A_386] : memref<6x256x256xf32, #tpu.memory_space<vmem>>, vector<1x256x256xf32>
    %get3A_388 = vector.shape_cast %get3A_387 : vector<1x256x256xf32> to vector<256x256xf32>
    %convert_element_type3A_389 = arith.truncf %max3A_383 : vector<256x256xf32> to vector<256x256xbf16>
    %convert_element_type3A_390 = arith.truncf %get3A_388 : vector<256x256xf32> to vector<256x256xbf16>
    %dot_general3A_391 = arith.constant dense<0.000000e+00> : vector<256x256xf32>
    %dot_general3A_392 = tpu.matmul %convert_element_type3A_389, %convert_element_type3A_390, %dot_general3A_391 {dimension_numbers = #tpu.dot_dimension_numbers<[1], [0], [0], [1], [0, 0, 1, 1], [], []>, transpose_lhs_hint = false} : vector<256x256xbf16>, vector<256x256xbf16>, vector<256x256xf32> -> vector<256x256xf32>
    %get3A_393 = arith.constant 2 : index
    %get3A_394 = arith.constant 0 : index
    %get3A_395 = arith.constant 0 : index
    %get3A_396 = vector.load %arg15[%get3A_393, %get3A_394, %get3A_395] : memref<6x1x256xf32, #tpu.memory_space<vmem>>, vector<1x1x256xf32>
    %get3A_397 = vector.shape_cast %get3A_396 : vector<1x1x256xf32> to vector<1x256xf32>
    %add3A_398 = vector.broadcast %get3A_397 : vector<1x256xf32> to vector<256x256xf32>
    %add3A_399 = arith.addf %dot_general3A_392, %add3A_398 : vector<256x256xf32>
    %reduce_sum3A_400 = arith.constant dense<0.000000e+00> : vector<256xf32>
    %reduce_sum3A_401 = vector.multi_reduction <add>, %add3A_399, %reduce_sum3A_400 [1] : vector<256x256xf32> to vector<256xf32>
    %broadcast_in_dim3A_402 = vector.shape_cast %reduce_sum3A_401 : vector<256xf32> to vector<256x1xf32>
    %div3A_403 = arith.constant 2.560000e+02 : f32
    %div3A_404 = vector.broadcast %div3A_403 : f32 to vector<256x1xf32>
    %div3A_405 = arith.divf %broadcast_in_dim3A_402, %div3A_404 : vector<256x1xf32>
    %sub3A_406 = vector.broadcast %div3A_405 : vector<256x1xf32> to vector<256x256xf32>
    %sub3A_407 = arith.subf %add3A_399, %sub3A_406 : vector<256x256xf32>
    %integer_pow3A_408 = arith.mulf %sub3A_407, %sub3A_407 : vector<256x256xf32>
    %reduce_sum3A_409 = arith.constant dense<0.000000e+00> : vector<256xf32>
    %reduce_sum3A_410 = vector.multi_reduction <add>, %integer_pow3A_408, %reduce_sum3A_409 [1] : vector<256x256xf32> to vector<256xf32>
    %broadcast_in_dim3A_411 = vector.shape_cast %reduce_sum3A_410 : vector<256xf32> to vector<256x1xf32>
    %div3A_412 = arith.constant 2.560000e+02 : f32
    %div3A_413 = vector.broadcast %div3A_412 : f32 to vector<256x1xf32>
    %div3A_414 = arith.divf %broadcast_in_dim3A_411, %div3A_413 : vector<256x1xf32>
    %sub3A_415 = vector.broadcast %div3A_405 : vector<256x1xf32> to vector<256x256xf32>
    %sub3A_416 = arith.subf %add3A_399, %sub3A_415 : vector<256x256xf32>
    %add3A_417 = arith.constant 9.99999974E-6 : f32
    %add3A_418 = vector.broadcast %add3A_417 : f32 to vector<256x1xf32>
    %add3A_419 = arith.addf %div3A_414, %add3A_418 : vector<256x1xf32>
    %sqrt3A_420 = math.sqrt %add3A_419 : vector<256x1xf32>
    %div3A_421 = vector.broadcast %sqrt3A_420 : vector<256x1xf32> to vector<256x256xf32>
    %div3A_422 = arith.divf %sub3A_416, %div3A_421 : vector<256x256xf32>
    %get3A_423 = arith.constant 2 : index
    %get3A_424 = arith.constant 0 : index
    %get3A_425 = arith.constant 0 : index
    %get3A_426 = vector.load %arg16[%get3A_423, %get3A_424, %get3A_425] : memref<6x1x256xf32, #tpu.memory_space<vmem>>, vector<1x1x256xf32>
    %get3A_427 = vector.shape_cast %get3A_426 : vector<1x1x256xf32> to vector<1x256xf32>
    %mul3A_428 = vector.broadcast %get3A_427 : vector<1x256xf32> to vector<256x256xf32>
    %mul3A_429 = arith.mulf %div3A_422, %mul3A_428 : vector<256x256xf32>
    %get3A_430 = arith.constant 2 : index
    %get3A_431 = arith.constant 0 : index
    %get3A_432 = arith.constant 0 : index
    %get3A_433 = vector.load %arg17[%get3A_430, %get3A_431, %get3A_432] : memref<6x1x256xf32, #tpu.memory_space<vmem>>, vector<1x1x256xf32>
    %get3A_434 = vector.shape_cast %get3A_433 : vector<1x1x256xf32> to vector<1x256xf32>
    %add3A_435 = vector.broadcast %get3A_434 : vector<1x256xf32> to vector<256x256xf32>
    %add3A_436 = arith.addf %mul3A_429, %add3A_435 : vector<256x256xf32>
    %add3A_437 = arith.addf %add3A_436, %max3A_291 : vector<256x256xf32>
    %max3A_438 = arith.constant 0.000000e+00 : f32
    %max3A_439 = vector.broadcast %max3A_438 : f32 to vector<256x256xf32>
    %max3A_440 = arith.maximumf %add3A_437, %max3A_439 : vector<256x256xf32>
    %get3A_441 = arith.constant 3 : index
    %get3A_442 = arith.constant 0 : index
    %get3A_443 = arith.constant 0 : index
    %get3A_444 = vector.load %arg8[%get3A_441, %get3A_442, %get3A_443] : memref<6x512x256xf32, #tpu.memory_space<vmem>>, vector<1x256x256xf32>
    %get3A_445 = vector.shape_cast %get3A_444 : vector<1x256x256xf32> to vector<256x256xf32>
    %get3A_446 = arith.constant 3 : index
    %get3A_447 = arith.constant 256 : index
    %get3A_448 = arith.constant 0 : index
    %get3A_449 = vector.load %arg8[%get3A_446, %get3A_447, %get3A_448] : memref<6x512x256xf32, #tpu.memory_space<vmem>>, vector<1x256x256xf32>
    %get3A_450 = vector.shape_cast %get3A_449 : vector<1x256x256xf32> to vector<256x256xf32>
    %get3A_451 = arith.constant 3 : index
    %get3A_452 = arith.constant 0 : index
    %get3A_453 = arith.constant 0 : index
    %get3A_454 = vector.load %arg4[%get3A_451, %get3A_452, %get3A_453] : memref<6x256x256xf32, #tpu.memory_space<vmem>>, vector<1x256x256xf32>
    %get3A_455 = vector.shape_cast %get3A_454 : vector<1x256x256xf32> to vector<256x256xf32>
    %convert_element_type3A_456 = arith.truncf %max3A_440 : vector<256x256xf32> to vector<256x256xbf16>
    %convert_element_type3A_457 = arith.truncf %get3A_455 : vector<256x256xf32> to vector<256x256xbf16>
    %dot_general3A_458 = arith.constant dense<0.000000e+00> : vector<256x256xf32>
    %dot_general3A_459 = tpu.matmul %convert_element_type3A_456, %convert_element_type3A_457, %dot_general3A_458 {dimension_numbers = #tpu.dot_dimension_numbers<[1], [0], [0], [1], [0, 0, 1, 1], [], []>, transpose_lhs_hint = false} : vector<256x256xbf16>, vector<256x256xbf16>, vector<256x256xf32> -> vector<256x256xf32>
    %get3A_460 = arith.constant 3 : index
    %get3A_461 = arith.constant 0 : index
    %get3A_462 = arith.constant 0 : index
    %get3A_463 = vector.load %arg5[%get3A_460, %get3A_461, %get3A_462] : memref<6x1x256xf32, #tpu.memory_space<vmem>>, vector<1x1x256xf32>
    %get3A_464 = vector.shape_cast %get3A_463 : vector<1x1x256xf32> to vector<1x256xf32>
    %add3A_465 = vector.broadcast %get3A_464 : vector<1x256xf32> to vector<256x256xf32>
    %add3A_466 = arith.addf %dot_general3A_459, %add3A_465 : vector<256x256xf32>
    %convert_element_type3A_467 = arith.truncf %add3A_466 : vector<256x256xf32> to vector<256x256xbf16>
    %convert_element_type3A_468 = arith.truncf %get3A_445 : vector<256x256xf32> to vector<256x256xbf16>
    %dot_general3A_469 = arith.constant dense<0.000000e+00> : vector<256x256xf32>
    %dot_general3A_470 = tpu.matmul %convert_element_type3A_467, %convert_element_type3A_468, %dot_general3A_469 {dimension_numbers = #tpu.dot_dimension_numbers<[1], [0], [0], [1], [0, 0, 1, 1], [], []>, transpose_lhs_hint = false} : vector<256x256xbf16>, vector<256x256xbf16>, vector<256x256xf32> -> vector<256x256xf32>
    %get3A_471 = arith.constant 3 : index
    %get3A_472 = arith.constant 0 : index
    %get3A_473 = arith.constant 0 : index
    %get3A_474 = vector.load %arg9[%get3A_471, %get3A_472, %get3A_473] : memref<6x1x256xf32, #tpu.memory_space<vmem>>, vector<1x1x256xf32>
    %get3A_475 = vector.shape_cast %get3A_474 : vector<1x1x256xf32> to vector<1x256xf32>
    %get3A_476 = arith.constant 3 : index
    %get3A_477 = arith.constant 0 : index
    %get3A_478 = arith.constant 0 : index
    %get3A_479 = vector.load %arg11[%get3A_476, %get3A_477, %get3A_478] : memref<6x1x256xf32, #tpu.memory_space<vmem>>, vector<1x1x256xf32>
    %get3A_480 = vector.shape_cast %get3A_479 : vector<1x1x256xf32> to vector<1x256xf32>
    %get3A_481 = arith.constant 3 : index
    %get3A_482 = arith.constant 0 : index
    %get3A_483 = arith.constant 0 : index
    %get3A_484 = vector.load %arg10[%get3A_481, %get3A_482, %get3A_483] : memref<6x256x256xf32, #tpu.memory_space<vmem>>, vector<1x256x256xf32>
    %get3A_485 = vector.shape_cast %get3A_484 : vector<1x256x256xf32> to vector<256x256xf32>
    %scan3A_486 = arith.constant 0 : i32
    %scan3A_487 = arith.constant 8 : i32
    %scan3A_488 = arith.addi %scan3A_486, %scan3A_487 : i32
    %scan3A_489 = arith.constant 1 : i32
    scf.for %scan3A_1047 = %scan3A_486 to %scan3A_488 step %scan3A_489  : i32 {
      %mul3A_1048 = arith.constant 512 : i32
      %mul3A_1049 = arith.muli %scan3A_1047, %mul3A_1048 : i32
      %get3A_1050 = arith.index_cast %mul3A_1049 : i32 to index
      %get3A_1051 = arith.constant 0 : index
      %get3A_1052 = vector.load %arg37[%get3A_1050, %get3A_1051] : memref<4096x256xf32, #tpu.memory_space<vmem>>, vector<512x256xf32>
      %get3A_1053 = arith.index_cast %mul3A_1049 : i32 to index
      %get3A_1054 = arith.constant 0 : index
      %get3A_1055 = vector.load %arg2[%get3A_1053, %get3A_1054] : memref<4096x16xf32, #tpu.memory_space<vmem>>, vector<512x16xf32>
      %get3A_1056 = arith.constant 3 : index
      %get3A_1057 = arith.constant 0 : index
      %get3A_1058 = arith.constant 0 : index
      %get3A_1059 = vector.load %arg6[%get3A_1056, %get3A_1057, %get3A_1058] : memref<6x16x256xf32, #tpu.memory_space<vmem>>, vector<1x16x256xf32>
      %get3A_1060 = vector.shape_cast %get3A_1059 : vector<1x16x256xf32> to vector<16x256xf32>
      %convert_element_type3A_1061 = arith.truncf %get3A_1055 : vector<512x16xf32> to vector<512x16xbf16>
      %convert_element_type3A_1062 = arith.truncf %get3A_1060 : vector<16x256xf32> to vector<16x256xbf16>
      %dot_general3A_1063 = arith.constant dense<0.000000e+00> : vector<512x256xf32>
      %dot_general3A_1064 = tpu.matmul %convert_element_type3A_1061, %convert_element_type3A_1062, %dot_general3A_1063 {dimension_numbers = #tpu.dot_dimension_numbers<[1], [0], [0], [1], [0, 0, 1, 1], [], []>, transpose_lhs_hint = false} : vector<512x16xbf16>, vector<16x256xbf16>, vector<512x256xf32> -> vector<512x256xf32>
      %get3A_1065 = arith.constant 3 : index
      %get3A_1066 = arith.constant 0 : index
      %get3A_1067 = arith.constant 0 : index
      %get3A_1068 = vector.load %arg7[%get3A_1065, %get3A_1066, %get3A_1067] : memref<6x1x256xf32, #tpu.memory_space<vmem>>, vector<1x1x256xf32>
      %get3A_1069 = vector.shape_cast %get3A_1068 : vector<1x1x256xf32> to vector<1x256xf32>
      %add3A_1070 = vector.broadcast %get3A_1069 : vector<1x256xf32> to vector<512x256xf32>
      %add3A_1071 = arith.addf %dot_general3A_1064, %add3A_1070 : vector<512x256xf32>
      %convert_element_type3A_1072 = arith.truncf %add3A_1071 : vector<512x256xf32> to vector<512x256xbf16>
      %convert_element_type3A_1073 = arith.truncf %get3A_450 : vector<256x256xf32> to vector<256x256xbf16>
      %dot_general3A_1074 = arith.constant dense<0.000000e+00> : vector<512x256xf32>
      %dot_general3A_1075 = tpu.matmul %convert_element_type3A_1072, %convert_element_type3A_1073, %dot_general3A_1074 {dimension_numbers = #tpu.dot_dimension_numbers<[1], [0], [0], [1], [0, 0, 1, 1], [], []>, transpose_lhs_hint = false} : vector<512x256xbf16>, vector<256x256xbf16>, vector<512x256xf32> -> vector<512x256xf32>
      %dot_general3A_1076 = arith.constant dense<0.000000e+00> : vector<512x256xf32>
      %dot_general3A_1077 = tpu.matmul %get3A_1052, %dot_general3A_470, %dot_general3A_1076 {dimension_numbers = #tpu.dot_dimension_numbers<[1], [0], [0], [1], [0, 0, 1, 1], [], []>, precision = #tpu.contract_precision<fp32>, transpose_lhs_hint = false} : vector<512x256xf32>, vector<256x256xf32>, vector<512x256xf32> -> vector<512x256xf32>
      %add3A_1078 = arith.addf %dot_general3A_1077, %dot_general3A_1075 : vector<512x256xf32>
      %add3A_1079 = vector.broadcast %get3A_475 : vector<1x256xf32> to vector<512x256xf32>
      %add3A_1080 = arith.addf %add3A_1078, %add3A_1079 : vector<512x256xf32>
      %max3A_1081 = arith.constant 0.000000e+00 : f32
      %max3A_1082 = vector.broadcast %max3A_1081 : f32 to vector<512x256xf32>
      %max3A_1083 = arith.maximumf %add3A_1080, %max3A_1082 : vector<512x256xf32>
      %convert_element_type3A_1084 = arith.truncf %max3A_1083 : vector<512x256xf32> to vector<512x256xbf16>
      %convert_element_type3A_1085 = arith.truncf %get3A_485 : vector<256x256xf32> to vector<256x256xbf16>
      %dot_general3A_1086 = arith.constant dense<0.000000e+00> : vector<512x256xf32>
      %dot_general3A_1087 = tpu.matmul %convert_element_type3A_1084, %convert_element_type3A_1085, %dot_general3A_1086 {dimension_numbers = #tpu.dot_dimension_numbers<[1], [0], [0], [1], [0, 0, 1, 1], [], []>, transpose_lhs_hint = false} : vector<512x256xbf16>, vector<256x256xbf16>, vector<512x256xf32> -> vector<512x256xf32>
      %add3A_1088 = vector.broadcast %get3A_480 : vector<1x256xf32> to vector<512x256xf32>
      %add3A_1089 = arith.addf %dot_general3A_1087, %add3A_1088 : vector<512x256xf32>
      %swap3A_1090 = arith.index_cast %mul3A_1049 : i32 to index
      %swap3A_1091 = arith.constant 0 : index
      %swap3A_1092 = vector.load %arg38[%swap3A_1090, %swap3A_1091] : memref<4096x256xf32, #tpu.memory_space<vmem>>, vector<512x256xf32>
      tpu.vector_store %arg38[%swap3A_1090, %swap3A_1091], %add3A_1089 {strides = array<i32>} : memref<4096x256xf32, #tpu.memory_space<vmem>>, vector<512x256xf32>,
    }
    %scan3A_490 = arith.constant 8 : i32
    %broadcast_in_dim3A_491 = arith.constant 0.000000e+00 : f32
    %broadcast_in_dim3A_492 = vector.broadcast %broadcast_in_dim3A_491 : f32 to vector<256x256xf32>
    %swap3A_493 = arith.constant 0 : index
    %swap3A_494 = arith.constant 0 : index
    %swap3A_495 = vector.load %arg39[%swap3A_493, %swap3A_494] : memref<256x256xf32, #tpu.memory_space<vmem>>, vector<256x256xf32>
    tpu.vector_store %arg39[%swap3A_493, %swap3A_494], %broadcast_in_dim3A_492 {strides = array<i32>} : memref<256x256xf32, #tpu.memory_space<vmem>>, vector<256x256xf32>,
    %scan3A_496 = arith.constant 0 : i32
    %scan3A_497 = arith.constant 4096 : i32
    %scan3A_498 = arith.addi %scan3A_496, %scan3A_497 : i32
    %scan3A_499 = arith.constant 8 : i32
    scf.for %scan3A_1047 = %scan3A_496 to %scan3A_498 step %scan3A_499  : i32 {
      %get3A_1048 = arith.constant 1 : index
      %get3A_1049 = arith.index_cast %scan3A_1047 : i32 to index
      %get3A_1050 = memref.load %arg0[%get3A_1048, %get3A_1049] : memref<2x4096xi32, #tpu.memory_space<smem>>
      %get3A_1051 = arith.index_cast %get3A_1050 : i32 to index
      %get3A_1052 = arith.constant 0 : index
      %get3A_1053 = vector.load %arg39[%get3A_1051, %get3A_1052] : memref<256x256xf32, #tpu.memory_space<vmem>>, vector<1x256xf32>
      %get3A_1054 = arith.index_cast %scan3A_1047 : i32 to index
      %get3A_1055 = arith.constant 0 : index
      %get3A_1056 = vector.load %arg38[%get3A_1054, %get3A_1055] : memref<4096x256xf32, #tpu.memory_space<vmem>>, vector<1x256xf32>
      %add3A_1057 = arith.addf %get3A_1053, %get3A_1056 : vector<1x256xf32>
      %swap3A_1058 = arith.index_cast %get3A_1050 : i32 to index
      %swap3A_1059 = arith.constant 0 : index
      %swap3A_1060 = vector.load %arg39[%swap3A_1058, %swap3A_1059] : memref<256x256xf32, #tpu.memory_space<vmem>>, vector<1x256xf32>
      tpu.vector_store %arg39[%swap3A_1058, %swap3A_1059], %add3A_1057 {strides = array<i32>} : memref<256x256xf32, #tpu.memory_space<vmem>>, vector<1x256xf32>,
      %scan3A_1061 = arith.constant 1 : i32
      %scan3A_1062 = arith.addi %scan3A_1047, %scan3A_1061 : i32
      %get3A_1063 = arith.constant 1 : index
      %get3A_1064 = arith.index_cast %scan3A_1062 : i32 to index
      %get3A_1065 = memref.load %arg0[%get3A_1063, %get3A_1064] : memref<2x4096xi32, #tpu.memory_space<smem>>
      %get3A_1066 = arith.index_cast %get3A_1065 : i32 to index
      %get3A_1067 = arith.constant 0 : index
      %get3A_1068 = vector.load %arg39[%get3A_1066, %get3A_1067] : memref<256x256xf32, #tpu.memory_space<vmem>>, vector<1x256xf32>
      %get3A_1069 = arith.index_cast %scan3A_1062 : i32 to index
      %get3A_1070 = arith.constant 0 : index
      %get3A_1071 = vector.load %arg38[%get3A_1069, %get3A_1070] : memref<4096x256xf32, #tpu.memory_space<vmem>>, vector<1x256xf32>
      %add3A_1072 = arith.addf %get3A_1068, %get3A_1071 : vector<1x256xf32>
      %swap3A_1073 = arith.index_cast %get3A_1065 : i32 to index
      %swap3A_1074 = arith.constant 0 : index
      %swap3A_1075 = vector.load %arg39[%swap3A_1073, %swap3A_1074] : memref<256x256xf32, #tpu.memory_space<vmem>>, vector<1x256xf32>
      tpu.vector_store %arg39[%swap3A_1073, %swap3A_1074], %add3A_1072 {strides = array<i32>} : memref<256x256xf32, #tpu.memory_space<vmem>>, vector<1x256xf32>,
      %scan3A_1076 = arith.constant 2 : i32
      %scan3A_1077 = arith.addi %scan3A_1047, %scan3A_1076 : i32
      %get3A_1078 = arith.constant 1 : index
      %get3A_1079 = arith.index_cast %scan3A_1077 : i32 to index
      %get3A_1080 = memref.load %arg0[%get3A_1078, %get3A_1079] : memref<2x4096xi32, #tpu.memory_space<smem>>
      %get3A_1081 = arith.index_cast %get3A_1080 : i32 to index
      %get3A_1082 = arith.constant 0 : index
      %get3A_1083 = vector.load %arg39[%get3A_1081, %get3A_1082] : memref<256x256xf32, #tpu.memory_space<vmem>>, vector<1x256xf32>
      %get3A_1084 = arith.index_cast %scan3A_1077 : i32 to index
      %get3A_1085 = arith.constant 0 : index
      %get3A_1086 = vector.load %arg38[%get3A_1084, %get3A_1085] : memref<4096x256xf32, #tpu.memory_space<vmem>>, vector<1x256xf32>
      %add3A_1087 = arith.addf %get3A_1083, %get3A_1086 : vector<1x256xf32>
      %swap3A_1088 = arith.index_cast %get3A_1080 : i32 to index
      %swap3A_1089 = arith.constant 0 : index
      %swap3A_1090 = vector.load %arg39[%swap3A_1088, %swap3A_1089] : memref<256x256xf32, #tpu.memory_space<vmem>>, vector<1x256xf32>
      tpu.vector_store %arg39[%swap3A_1088, %swap3A_1089], %add3A_1087 {strides = array<i32>} : memref<256x256xf32, #tpu.memory_space<vmem>>, vector<1x256xf32>,
      %scan3A_1091 = arith.constant 3 : i32
      %scan3A_1092 = arith.addi %scan3A_1047, %scan3A_1091 : i32
      %get3A_1093 = arith.constant 1 : index
      %get3A_1094 = arith.index_cast %scan3A_1092 : i32 to index
      %get3A_1095 = memref.load %arg0[%get3A_1093, %get3A_1094] : memref<2x4096xi32, #tpu.memory_space<smem>>
      %get3A_1096 = arith.index_cast %get3A_1095 : i32 to index
      %get3A_1097 = arith.constant 0 : index
      %get3A_1098 = vector.load %arg39[%get3A_1096, %get3A_1097] : memref<256x256xf32, #tpu.memory_space<vmem>>, vector<1x256xf32>
      %get3A_1099 = arith.index_cast %scan3A_1092 : i32 to index
      %get3A_1100 = arith.constant 0 : index
      %get3A_1101 = vector.load %arg38[%get3A_1099, %get3A_1100] : memref<4096x256xf32, #tpu.memory_space<vmem>>, vector<1x256xf32>
      %add3A_1102 = arith.addf %get3A_1098, %get3A_1101 : vector<1x256xf32>
      %swap3A_1103 = arith.index_cast %get3A_1095 : i32 to index
      %swap3A_1104 = arith.constant 0 : index
      %swap3A_1105 = vector.load %arg39[%swap3A_1103, %swap3A_1104] : memref<256x256xf32, #tpu.memory_space<vmem>>, vector<1x256xf32>
      tpu.vector_store %arg39[%swap3A_1103, %swap3A_1104], %add3A_1102 {strides = array<i32>} : memref<256x256xf32, #tpu.memory_space<vmem>>, vector<1x256xf32>,
      %scan3A_1106 = arith.constant 4 : i32
      %scan3A_1107 = arith.addi %scan3A_1047, %scan3A_1106 : i32
      %get3A_1108 = arith.constant 1 : index
      %get3A_1109 = arith.index_cast %scan3A_1107 : i32 to index
      %get3A_1110 = memref.load %arg0[%get3A_1108, %get3A_1109] : memref<2x4096xi32, #tpu.memory_space<smem>>
      %get3A_1111 = arith.index_cast %get3A_1110 : i32 to index
      %get3A_1112 = arith.constant 0 : index
      %get3A_1113 = vector.load %arg39[%get3A_1111, %get3A_1112] : memref<256x256xf32, #tpu.memory_space<vmem>>, vector<1x256xf32>
      %get3A_1114 = arith.index_cast %scan3A_1107 : i32 to index
      %get3A_1115 = arith.constant 0 : index
      %get3A_1116 = vector.load %arg38[%get3A_1114, %get3A_1115] : memref<4096x256xf32, #tpu.memory_space<vmem>>, vector<1x256xf32>
      %add3A_1117 = arith.addf %get3A_1113, %get3A_1116 : vector<1x256xf32>
      %swap3A_1118 = arith.index_cast %get3A_1110 : i32 to index
      %swap3A_1119 = arith.constant 0 : index
      %swap3A_1120 = vector.load %arg39[%swap3A_1118, %swap3A_1119] : memref<256x256xf32, #tpu.memory_space<vmem>>, vector<1x256xf32>
      tpu.vector_store %arg39[%swap3A_1118, %swap3A_1119], %add3A_1117 {strides = array<i32>} : memref<256x256xf32, #tpu.memory_space<vmem>>, vector<1x256xf32>,
      %scan3A_1121 = arith.constant 5 : i32
      %scan3A_1122 = arith.addi %scan3A_1047, %scan3A_1121 : i32
      %get3A_1123 = arith.constant 1 : index
      %get3A_1124 = arith.index_cast %scan3A_1122 : i32 to index
      %get3A_1125 = memref.load %arg0[%get3A_1123, %get3A_1124] : memref<2x4096xi32, #tpu.memory_space<smem>>
      %get3A_1126 = arith.index_cast %get3A_1125 : i32 to index
      %get3A_1127 = arith.constant 0 : index
      %get3A_1128 = vector.load %arg39[%get3A_1126, %get3A_1127] : memref<256x256xf32, #tpu.memory_space<vmem>>, vector<1x256xf32>
      %get3A_1129 = arith.index_cast %scan3A_1122 : i32 to index
      %get3A_1130 = arith.constant 0 : index
      %get3A_1131 = vector.load %arg38[%get3A_1129, %get3A_1130] : memref<4096x256xf32, #tpu.memory_space<vmem>>, vector<1x256xf32>
      %add3A_1132 = arith.addf %get3A_1128, %get3A_1131 : vector<1x256xf32>
      %swap3A_1133 = arith.index_cast %get3A_1125 : i32 to index
      %swap3A_1134 = arith.constant 0 : index
      %swap3A_1135 = vector.load %arg39[%swap3A_1133, %swap3A_1134] : memref<256x256xf32, #tpu.memory_space<vmem>>, vector<1x256xf32>
      tpu.vector_store %arg39[%swap3A_1133, %swap3A_1134], %add3A_1132 {strides = array<i32>} : memref<256x256xf32, #tpu.memory_space<vmem>>, vector<1x256xf32>,
      %scan3A_1136 = arith.constant 6 : i32
      %scan3A_1137 = arith.addi %scan3A_1047, %scan3A_1136 : i32
      %get3A_1138 = arith.constant 1 : index
      %get3A_1139 = arith.index_cast %scan3A_1137 : i32 to index
      %get3A_1140 = memref.load %arg0[%get3A_1138, %get3A_1139] : memref<2x4096xi32, #tpu.memory_space<smem>>
      %get3A_1141 = arith.index_cast %get3A_1140 : i32 to index
      %get3A_1142 = arith.constant 0 : index
      %get3A_1143 = vector.load %arg39[%get3A_1141, %get3A_1142] : memref<256x256xf32, #tpu.memory_space<vmem>>, vector<1x256xf32>
      %get3A_1144 = arith.index_cast %scan3A_1137 : i32 to index
      %get3A_1145 = arith.constant 0 : index
      %get3A_1146 = vector.load %arg38[%get3A_1144, %get3A_1145] : memref<4096x256xf32, #tpu.memory_space<vmem>>, vector<1x256xf32>
      %add3A_1147 = arith.addf %get3A_1143, %get3A_1146 : vector<1x256xf32>
      %swap3A_1148 = arith.index_cast %get3A_1140 : i32 to index
      %swap3A_1149 = arith.constant 0 : index
      %swap3A_1150 = vector.load %arg39[%swap3A_1148, %swap3A_1149] : memref<256x256xf32, #tpu.memory_space<vmem>>, vector<1x256xf32>
      tpu.vector_store %arg39[%swap3A_1148, %swap3A_1149], %add3A_1147 {strides = array<i32>} : memref<256x256xf32, #tpu.memory_space<vmem>>, vector<1x256xf32>,
      %scan3A_1151 = arith.constant 7 : i32
      %scan3A_1152 = arith.addi %scan3A_1047, %scan3A_1151 : i32
      %get3A_1153 = arith.constant 1 : index
      %get3A_1154 = arith.index_cast %scan3A_1152 : i32 to index
      %get3A_1155 = memref.load %arg0[%get3A_1153, %get3A_1154] : memref<2x4096xi32, #tpu.memory_space<smem>>
      %get3A_1156 = arith.index_cast %get3A_1155 : i32 to index
      %get3A_1157 = arith.constant 0 : index
      %get3A_1158 = vector.load %arg39[%get3A_1156, %get3A_1157] : memref<256x256xf32, #tpu.memory_space<vmem>>, vector<1x256xf32>
      %get3A_1159 = arith.index_cast %scan3A_1152 : i32 to index
      %get3A_1160 = arith.constant 0 : index
      %get3A_1161 = vector.load %arg38[%get3A_1159, %get3A_1160] : memref<4096x256xf32, #tpu.memory_space<vmem>>, vector<1x256xf32>
      %add3A_1162 = arith.addf %get3A_1158, %get3A_1161 : vector<1x256xf32>
      %swap3A_1163 = arith.index_cast %get3A_1155 : i32 to index
      %swap3A_1164 = arith.constant 0 : index
      %swap3A_1165 = vector.load %arg39[%swap3A_1163, %swap3A_1164] : memref<256x256xf32, #tpu.memory_space<vmem>>, vector<1x256xf32>
      tpu.vector_store %arg39[%swap3A_1163, %swap3A_1164], %add3A_1162 {strides = array<i32>} : memref<256x256xf32, #tpu.memory_space<vmem>>, vector<1x256xf32>,
    }
    %scan3A_500 = arith.constant 4096 : i32
    %get3A_501 = arith.constant 0 : index
    %get3A_502 = arith.constant 0 : index
    %get3A_503 = vector.load %arg39[%get3A_501, %get3A_502] : memref<256x256xf32, #tpu.memory_space<vmem>>, vector<256x256xf32>
    %get3A_504 = arith.constant 3 : index
    %get3A_505 = arith.constant 0 : index
    %get3A_506 = arith.constant 0 : index
    %get3A_507 = vector.load %arg12[%get3A_504, %get3A_505, %get3A_506] : memref<6x512x256xf32, #tpu.memory_space<vmem>>, vector<1x256x256xf32>
    %get3A_508 = vector.shape_cast %get3A_507 : vector<1x256x256xf32> to vector<256x256xf32>
    %convert_element_type3A_509 = arith.truncf %max3A_440 : vector<256x256xf32> to vector<256x256xbf16>
    %convert_element_type3A_510 = arith.truncf %get3A_508 : vector<256x256xf32> to vector<256x256xbf16>
    %dot_general3A_511 = arith.constant dense<0.000000e+00> : vector<256x256xf32>
    %dot_general3A_512 = tpu.matmul %convert_element_type3A_509, %convert_element_type3A_510, %dot_general3A_511 {dimension_numbers = #tpu.dot_dimension_numbers<[1], [0], [0], [1], [0, 0, 1, 1], [], []>, transpose_lhs_hint = false} : vector<256x256xbf16>, vector<256x256xbf16>, vector<256x256xf32> -> vector<256x256xf32>
    %get3A_513 = arith.constant 3 : index
    %get3A_514 = arith.constant 256 : index
    %get3A_515 = arith.constant 0 : index
    %get3A_516 = vector.load %arg12[%get3A_513, %get3A_514, %get3A_515] : memref<6x512x256xf32, #tpu.memory_space<vmem>>, vector<1x256x256xf32>
    %get3A_517 = vector.shape_cast %get3A_516 : vector<1x256x256xf32> to vector<256x256xf32>
    %convert_element_type3A_518 = arith.truncf %get3A_503 : vector<256x256xf32> to vector<256x256xbf16>
    %convert_element_type3A_519 = arith.truncf %get3A_517 : vector<256x256xf32> to vector<256x256xbf16>
    %dot_general3A_520 = arith.constant dense<0.000000e+00> : vector<256x256xf32>
    %dot_general3A_521 = tpu.matmul %convert_element_type3A_518, %convert_element_type3A_519, %dot_general3A_520 {dimension_numbers = #tpu.dot_dimension_numbers<[1], [0], [0], [1], [0, 0, 1, 1], [], []>, transpose_lhs_hint = false} : vector<256x256xbf16>, vector<256x256xbf16>, vector<256x256xf32> -> vector<256x256xf32>
    %add3A_522 = arith.addf %dot_general3A_512, %dot_general3A_521 : vector<256x256xf32>
    %get3A_523 = arith.constant 3 : index
    %get3A_524 = arith.constant 0 : index
    %get3A_525 = arith.constant 0 : index
    %get3A_526 = vector.load %arg13[%get3A_523, %get3A_524, %get3A_525] : memref<6x1x256xf32, #tpu.memory_space<vmem>>, vector<1x1x256xf32>
    %get3A_527 = vector.shape_cast %get3A_526 : vector<1x1x256xf32> to vector<1x256xf32>
    %add3A_528 = vector.broadcast %get3A_527 : vector<1x256xf32> to vector<256x256xf32>
    %add3A_529 = arith.addf %add3A_522, %add3A_528 : vector<256x256xf32>
    %max3A_530 = arith.constant 0.000000e+00 : f32
    %max3A_531 = vector.broadcast %max3A_530 : f32 to vector<256x256xf32>
    %max3A_532 = arith.maximumf %add3A_529, %max3A_531 : vector<256x256xf32>
    %get3A_533 = arith.constant 3 : index
    %get3A_534 = arith.constant 0 : index
    %get3A_535 = arith.constant 0 : index
    %get3A_536 = vector.load %arg14[%get3A_533, %get3A_534, %get3A_535] : memref<6x256x256xf32, #tpu.memory_space<vmem>>, vector<1x256x256xf32>
    %get3A_537 = vector.shape_cast %get3A_536 : vector<1x256x256xf32> to vector<256x256xf32>
    %convert_element_type3A_538 = arith.truncf %max3A_532 : vector<256x256xf32> to vector<256x256xbf16>
    %convert_element_type3A_539 = arith.truncf %get3A_537 : vector<256x256xf32> to vector<256x256xbf16>
    %dot_general3A_540 = arith.constant dense<0.000000e+00> : vector<256x256xf32>
    %dot_general3A_541 = tpu.matmul %convert_element_type3A_538, %convert_element_type3A_539, %dot_general3A_540 {dimension_numbers = #tpu.dot_dimension_numbers<[1], [0], [0], [1], [0, 0, 1, 1], [], []>, transpose_lhs_hint = false} : vector<256x256xbf16>, vector<256x256xbf16>, vector<256x256xf32> -> vector<256x256xf32>
    %get3A_542 = arith.constant 3 : index
    %get3A_543 = arith.constant 0 : index
    %get3A_544 = arith.constant 0 : index
    %get3A_545 = vector.load %arg15[%get3A_542, %get3A_543, %get3A_544] : memref<6x1x256xf32, #tpu.memory_space<vmem>>, vector<1x1x256xf32>
    %get3A_546 = vector.shape_cast %get3A_545 : vector<1x1x256xf32> to vector<1x256xf32>
    %add3A_547 = vector.broadcast %get3A_546 : vector<1x256xf32> to vector<256x256xf32>
    %add3A_548 = arith.addf %dot_general3A_541, %add3A_547 : vector<256x256xf32>
    %reduce_sum3A_549 = arith.constant dense<0.000000e+00> : vector<256xf32>
    %reduce_sum3A_550 = vector.multi_reduction <add>, %add3A_548, %reduce_sum3A_549 [1] : vector<256x256xf32> to vector<256xf32>
    %broadcast_in_dim3A_551 = vector.shape_cast %reduce_sum3A_550 : vector<256xf32> to vector<256x1xf32>
    %div3A_552 = arith.constant 2.560000e+02 : f32
    %div3A_553 = vector.broadcast %div3A_552 : f32 to vector<256x1xf32>
    %div3A_554 = arith.divf %broadcast_in_dim3A_551, %div3A_553 : vector<256x1xf32>
    %sub3A_555 = vector.broadcast %div3A_554 : vector<256x1xf32> to vector<256x256xf32>
    %sub3A_556 = arith.subf %add3A_548, %sub3A_555 : vector<256x256xf32>
    %integer_pow3A_557 = arith.mulf %sub3A_556, %sub3A_556 : vector<256x256xf32>
    %reduce_sum3A_558 = arith.constant dense<0.000000e+00> : vector<256xf32>
    %reduce_sum3A_559 = vector.multi_reduction <add>, %integer_pow3A_557, %reduce_sum3A_558 [1] : vector<256x256xf32> to vector<256xf32>
    %broadcast_in_dim3A_560 = vector.shape_cast %reduce_sum3A_559 : vector<256xf32> to vector<256x1xf32>
    %div3A_561 = arith.constant 2.560000e+02 : f32
    %div3A_562 = vector.broadcast %div3A_561 : f32 to vector<256x1xf32>
    %div3A_563 = arith.divf %broadcast_in_dim3A_560, %div3A_562 : vector<256x1xf32>
    %sub3A_564 = vector.broadcast %div3A_554 : vector<256x1xf32> to vector<256x256xf32>
    %sub3A_565 = arith.subf %add3A_548, %sub3A_564 : vector<256x256xf32>
    %add3A_566 = arith.constant 9.99999974E-6 : f32
    %add3A_567 = vector.broadcast %add3A_566 : f32 to vector<256x1xf32>
    %add3A_568 = arith.addf %div3A_563, %add3A_567 : vector<256x1xf32>
    %sqrt3A_569 = math.sqrt %add3A_568 : vector<256x1xf32>
    %div3A_570 = vector.broadcast %sqrt3A_569 : vector<256x1xf32> to vector<256x256xf32>
    %div3A_571 = arith.divf %sub3A_565, %div3A_570 : vector<256x256xf32>
    %get3A_572 = arith.constant 3 : index
    %get3A_573 = arith.constant 0 : index
    %get3A_574 = arith.constant 0 : index
    %get3A_575 = vector.load %arg16[%get3A_572, %get3A_573, %get3A_574] : memref<6x1x256xf32, #tpu.memory_space<vmem>>, vector<1x1x256xf32>
    %get3A_576 = vector.shape_cast %get3A_575 : vector<1x1x256xf32> to vector<1x256xf32>
    %mul3A_577 = vector.broadcast %get3A_576 : vector<1x256xf32> to vector<256x256xf32>
    %mul3A_578 = arith.mulf %div3A_571, %mul3A_577 : vector<256x256xf32>
    %get3A_579 = arith.constant 3 : index
    %get3A_580 = arith.constant 0 : index
    %get3A_581 = arith.constant 0 : index
    %get3A_582 = vector.load %arg17[%get3A_579, %get3A_580, %get3A_581] : memref<6x1x256xf32, #tpu.memory_space<vmem>>, vector<1x1x256xf32>
    %get3A_583 = vector.shape_cast %get3A_582 : vector<1x1x256xf32> to vector<1x256xf32>
    %add3A_584 = vector.broadcast %get3A_583 : vector<1x256xf32> to vector<256x256xf32>
    %add3A_585 = arith.addf %mul3A_578, %add3A_584 : vector<256x256xf32>
    %add3A_586 = arith.addf %add3A_585, %max3A_440 : vector<256x256xf32>
    %max3A_587 = arith.constant 0.000000e+00 : f32
    %max3A_588 = vector.broadcast %max3A_587 : f32 to vector<256x256xf32>
    %max3A_589 = arith.maximumf %add3A_586, %max3A_588 : vector<256x256xf32>
    %get3A_590 = arith.constant 4 : index
    %get3A_591 = arith.constant 0 : index
    %get3A_592 = arith.constant 0 : index
    %get3A_593 = vector.load %arg8[%get3A_590, %get3A_591, %get3A_592] : memref<6x512x256xf32, #tpu.memory_space<vmem>>, vector<1x256x256xf32>
    %get3A_594 = vector.shape_cast %get3A_593 : vector<1x256x256xf32> to vector<256x256xf32>
    %get3A_595 = arith.constant 4 : index
    %get3A_596 = arith.constant 256 : index
    %get3A_597 = arith.constant 0 : index
    %get3A_598 = vector.load %arg8[%get3A_595, %get3A_596, %get3A_597] : memref<6x512x256xf32, #tpu.memory_space<vmem>>, vector<1x256x256xf32>
    %get3A_599 = vector.shape_cast %get3A_598 : vector<1x256x256xf32> to vector<256x256xf32>
    %get3A_600 = arith.constant 4 : index
    %get3A_601 = arith.constant 0 : index
    %get3A_602 = arith.constant 0 : index
    %get3A_603 = vector.load %arg4[%get3A_600, %get3A_601, %get3A_602] : memref<6x256x256xf32, #tpu.memory_space<vmem>>, vector<1x256x256xf32>
    %get3A_604 = vector.shape_cast %get3A_603 : vector<1x256x256xf32> to vector<256x256xf32>
    %convert_element_type3A_605 = arith.truncf %max3A_589 : vector<256x256xf32> to vector<256x256xbf16>
    %convert_element_type3A_606 = arith.truncf %get3A_604 : vector<256x256xf32> to vector<256x256xbf16>
    %dot_general3A_607 = arith.constant dense<0.000000e+00> : vector<256x256xf32>
    %dot_general3A_608 = tpu.matmul %convert_element_type3A_605, %convert_element_type3A_606, %dot_general3A_607 {dimension_numbers = #tpu.dot_dimension_numbers<[1], [0], [0], [1], [0, 0, 1, 1], [], []>, transpose_lhs_hint = false} : vector<256x256xbf16>, vector<256x256xbf16>, vector<256x256xf32> -> vector<256x256xf32>
    %get3A_609 = arith.constant 4 : index
    %get3A_610 = arith.constant 0 : index
    %get3A_611 = arith.constant 0 : index
    %get3A_612 = vector.load %arg5[%get3A_609, %get3A_610, %get3A_611] : memref<6x1x256xf32, #tpu.memory_space<vmem>>, vector<1x1x256xf32>
    %get3A_613 = vector.shape_cast %get3A_612 : vector<1x1x256xf32> to vector<1x256xf32>
    %add3A_614 = vector.broadcast %get3A_613 : vector<1x256xf32> to vector<256x256xf32>
    %add3A_615 = arith.addf %dot_general3A_608, %add3A_614 : vector<256x256xf32>
    %convert_element_type3A_616 = arith.truncf %add3A_615 : vector<256x256xf32> to vector<256x256xbf16>
    %convert_element_type3A_617 = arith.truncf %get3A_594 : vector<256x256xf32> to vector<256x256xbf16>
    %dot_general3A_618 = arith.constant dense<0.000000e+00> : vector<256x256xf32>
    %dot_general3A_619 = tpu.matmul %convert_element_type3A_616, %convert_element_type3A_617, %dot_general3A_618 {dimension_numbers = #tpu.dot_dimension_numbers<[1], [0], [0], [1], [0, 0, 1, 1], [], []>, transpose_lhs_hint = false} : vector<256x256xbf16>, vector<256x256xbf16>, vector<256x256xf32> -> vector<256x256xf32>
    %get3A_620 = arith.constant 4 : index
    %get3A_621 = arith.constant 0 : index
    %get3A_622 = arith.constant 0 : index
    %get3A_623 = vector.load %arg9[%get3A_620, %get3A_621, %get3A_622] : memref<6x1x256xf32, #tpu.memory_space<vmem>>, vector<1x1x256xf32>
    %get3A_624 = vector.shape_cast %get3A_623 : vector<1x1x256xf32> to vector<1x256xf32>
    %get3A_625 = arith.constant 4 : index
    %get3A_626 = arith.constant 0 : index
    %get3A_627 = arith.constant 0 : index
    %get3A_628 = vector.load %arg11[%get3A_625, %get3A_626, %get3A_627] : memref<6x1x256xf32, #tpu.memory_space<vmem>>, vector<1x1x256xf32>
    %get3A_629 = vector.shape_cast %get3A_628 : vector<1x1x256xf32> to vector<1x256xf32>
    %get3A_630 = arith.constant 4 : index
    %get3A_631 = arith.constant 0 : index
    %get3A_632 = arith.constant 0 : index
    %get3A_633 = vector.load %arg10[%get3A_630, %get3A_631, %get3A_632] : memref<6x256x256xf32, #tpu.memory_space<vmem>>, vector<1x256x256xf32>
    %get3A_634 = vector.shape_cast %get3A_633 : vector<1x256x256xf32> to vector<256x256xf32>
    %scan3A_635 = arith.constant 0 : i32
    %scan3A_636 = arith.constant 8 : i32
    %scan3A_637 = arith.addi %scan3A_635, %scan3A_636 : i32
    %scan3A_638 = arith.constant 1 : i32
    scf.for %scan3A_1047 = %scan3A_635 to %scan3A_637 step %scan3A_638  : i32 {
      %mul3A_1048 = arith.constant 512 : i32
      %mul3A_1049 = arith.muli %scan3A_1047, %mul3A_1048 : i32
      %get3A_1050 = arith.index_cast %mul3A_1049 : i32 to index
      %get3A_1051 = arith.constant 0 : index
      %get3A_1052 = vector.load %arg37[%get3A_1050, %get3A_1051] : memref<4096x256xf32, #tpu.memory_space<vmem>>, vector<512x256xf32>
      %get3A_1053 = arith.index_cast %mul3A_1049 : i32 to index
      %get3A_1054 = arith.constant 0 : index
      %get3A_1055 = vector.load %arg2[%get3A_1053, %get3A_1054] : memref<4096x16xf32, #tpu.memory_space<vmem>>, vector<512x16xf32>
      %get3A_1056 = arith.constant 4 : index
      %get3A_1057 = arith.constant 0 : index
      %get3A_1058 = arith.constant 0 : index
      %get3A_1059 = vector.load %arg6[%get3A_1056, %get3A_1057, %get3A_1058] : memref<6x16x256xf32, #tpu.memory_space<vmem>>, vector<1x16x256xf32>
      %get3A_1060 = vector.shape_cast %get3A_1059 : vector<1x16x256xf32> to vector<16x256xf32>
      %convert_element_type3A_1061 = arith.truncf %get3A_1055 : vector<512x16xf32> to vector<512x16xbf16>
      %convert_element_type3A_1062 = arith.truncf %get3A_1060 : vector<16x256xf32> to vector<16x256xbf16>
      %dot_general3A_1063 = arith.constant dense<0.000000e+00> : vector<512x256xf32>
      %dot_general3A_1064 = tpu.matmul %convert_element_type3A_1061, %convert_element_type3A_1062, %dot_general3A_1063 {dimension_numbers = #tpu.dot_dimension_numbers<[1], [0], [0], [1], [0, 0, 1, 1], [], []>, transpose_lhs_hint = false} : vector<512x16xbf16>, vector<16x256xbf16>, vector<512x256xf32> -> vector<512x256xf32>
      %get3A_1065 = arith.constant 4 : index
      %get3A_1066 = arith.constant 0 : index
      %get3A_1067 = arith.constant 0 : index
      %get3A_1068 = vector.load %arg7[%get3A_1065, %get3A_1066, %get3A_1067] : memref<6x1x256xf32, #tpu.memory_space<vmem>>, vector<1x1x256xf32>
      %get3A_1069 = vector.shape_cast %get3A_1068 : vector<1x1x256xf32> to vector<1x256xf32>
      %add3A_1070 = vector.broadcast %get3A_1069 : vector<1x256xf32> to vector<512x256xf32>
      %add3A_1071 = arith.addf %dot_general3A_1064, %add3A_1070 : vector<512x256xf32>
      %convert_element_type3A_1072 = arith.truncf %add3A_1071 : vector<512x256xf32> to vector<512x256xbf16>
      %convert_element_type3A_1073 = arith.truncf %get3A_599 : vector<256x256xf32> to vector<256x256xbf16>
      %dot_general3A_1074 = arith.constant dense<0.000000e+00> : vector<512x256xf32>
      %dot_general3A_1075 = tpu.matmul %convert_element_type3A_1072, %convert_element_type3A_1073, %dot_general3A_1074 {dimension_numbers = #tpu.dot_dimension_numbers<[1], [0], [0], [1], [0, 0, 1, 1], [], []>, transpose_lhs_hint = false} : vector<512x256xbf16>, vector<256x256xbf16>, vector<512x256xf32> -> vector<512x256xf32>
      %dot_general3A_1076 = arith.constant dense<0.000000e+00> : vector<512x256xf32>
      %dot_general3A_1077 = tpu.matmul %get3A_1052, %dot_general3A_619, %dot_general3A_1076 {dimension_numbers = #tpu.dot_dimension_numbers<[1], [0], [0], [1], [0, 0, 1, 1], [], []>, precision = #tpu.contract_precision<fp32>, transpose_lhs_hint = false} : vector<512x256xf32>, vector<256x256xf32>, vector<512x256xf32> -> vector<512x256xf32>
      %add3A_1078 = arith.addf %dot_general3A_1077, %dot_general3A_1075 : vector<512x256xf32>
      %add3A_1079 = vector.broadcast %get3A_624 : vector<1x256xf32> to vector<512x256xf32>
      %add3A_1080 = arith.addf %add3A_1078, %add3A_1079 : vector<512x256xf32>
      %max3A_1081 = arith.constant 0.000000e+00 : f32
      %max3A_1082 = vector.broadcast %max3A_1081 : f32 to vector<512x256xf32>
      %max3A_1083 = arith.maximumf %add3A_1080, %max3A_1082 : vector<512x256xf32>
      %convert_element_type3A_1084 = arith.truncf %max3A_1083 : vector<512x256xf32> to vector<512x256xbf16>
      %convert_element_type3A_1085 = arith.truncf %get3A_634 : vector<256x256xf32> to vector<256x256xbf16>
      %dot_general3A_1086 = arith.constant dense<0.000000e+00> : vector<512x256xf32>
      %dot_general3A_1087 = tpu.matmul %convert_element_type3A_1084, %convert_element_type3A_1085, %dot_general3A_1086 {dimension_numbers = #tpu.dot_dimension_numbers<[1], [0], [0], [1], [0, 0, 1, 1], [], []>, transpose_lhs_hint = false} : vector<512x256xbf16>, vector<256x256xbf16>, vector<512x256xf32> -> vector<512x256xf32>
      %add3A_1088 = vector.broadcast %get3A_629 : vector<1x256xf32> to vector<512x256xf32>
      %add3A_1089 = arith.addf %dot_general3A_1087, %add3A_1088 : vector<512x256xf32>
      %swap3A_1090 = arith.index_cast %mul3A_1049 : i32 to index
      %swap3A_1091 = arith.constant 0 : index
      %swap3A_1092 = vector.load %arg38[%swap3A_1090, %swap3A_1091] : memref<4096x256xf32, #tpu.memory_space<vmem>>, vector<512x256xf32>
      tpu.vector_store %arg38[%swap3A_1090, %swap3A_1091], %add3A_1089 {strides = array<i32>} : memref<4096x256xf32, #tpu.memory_space<vmem>>, vector<512x256xf32>,
    }
    %scan3A_639 = arith.constant 8 : i32
    %broadcast_in_dim3A_640 = arith.constant 0.000000e+00 : f32
    %broadcast_in_dim3A_641 = vector.broadcast %broadcast_in_dim3A_640 : f32 to vector<256x256xf32>
    %swap3A_642 = arith.constant 0 : index
    %swap3A_643 = arith.constant 0 : index
    %swap3A_644 = vector.load %arg39[%swap3A_642, %swap3A_643] : memref<256x256xf32, #tpu.memory_space<vmem>>, vector<256x256xf32>
    tpu.vector_store %arg39[%swap3A_642, %swap3A_643], %broadcast_in_dim3A_641 {strides = array<i32>} : memref<256x256xf32, #tpu.memory_space<vmem>>, vector<256x256xf32>,
    %scan3A_645 = arith.constant 0 : i32
    %scan3A_646 = arith.constant 4096 : i32
    %scan3A_647 = arith.addi %scan3A_645, %scan3A_646 : i32
    %scan3A_648 = arith.constant 8 : i32
    scf.for %scan3A_1047 = %scan3A_645 to %scan3A_647 step %scan3A_648  : i32 {
      %get3A_1048 = arith.constant 1 : index
      %get3A_1049 = arith.index_cast %scan3A_1047 : i32 to index
      %get3A_1050 = memref.load %arg0[%get3A_1048, %get3A_1049] : memref<2x4096xi32, #tpu.memory_space<smem>>
      %get3A_1051 = arith.index_cast %get3A_1050 : i32 to index
      %get3A_1052 = arith.constant 0 : index
      %get3A_1053 = vector.load %arg39[%get3A_1051, %get3A_1052] : memref<256x256xf32, #tpu.memory_space<vmem>>, vector<1x256xf32>
      %get3A_1054 = arith.index_cast %scan3A_1047 : i32 to index
      %get3A_1055 = arith.constant 0 : index
      %get3A_1056 = vector.load %arg38[%get3A_1054, %get3A_1055] : memref<4096x256xf32, #tpu.memory_space<vmem>>, vector<1x256xf32>
      %add3A_1057 = arith.addf %get3A_1053, %get3A_1056 : vector<1x256xf32>
      %swap3A_1058 = arith.index_cast %get3A_1050 : i32 to index
      %swap3A_1059 = arith.constant 0 : index
      %swap3A_1060 = vector.load %arg39[%swap3A_1058, %swap3A_1059] : memref<256x256xf32, #tpu.memory_space<vmem>>, vector<1x256xf32>
      tpu.vector_store %arg39[%swap3A_1058, %swap3A_1059], %add3A_1057 {strides = array<i32>} : memref<256x256xf32, #tpu.memory_space<vmem>>, vector<1x256xf32>,
      %scan3A_1061 = arith.constant 1 : i32
      %scan3A_1062 = arith.addi %scan3A_1047, %scan3A_1061 : i32
      %get3A_1063 = arith.constant 1 : index
      %get3A_1064 = arith.index_cast %scan3A_1062 : i32 to index
      %get3A_1065 = memref.load %arg0[%get3A_1063, %get3A_1064] : memref<2x4096xi32, #tpu.memory_space<smem>>
      %get3A_1066 = arith.index_cast %get3A_1065 : i32 to index
      %get3A_1067 = arith.constant 0 : index
      %get3A_1068 = vector.load %arg39[%get3A_1066, %get3A_1067] : memref<256x256xf32, #tpu.memory_space<vmem>>, vector<1x256xf32>
      %get3A_1069 = arith.index_cast %scan3A_1062 : i32 to index
      %get3A_1070 = arith.constant 0 : index
      %get3A_1071 = vector.load %arg38[%get3A_1069, %get3A_1070] : memref<4096x256xf32, #tpu.memory_space<vmem>>, vector<1x256xf32>
      %add3A_1072 = arith.addf %get3A_1068, %get3A_1071 : vector<1x256xf32>
      %swap3A_1073 = arith.index_cast %get3A_1065 : i32 to index
      %swap3A_1074 = arith.constant 0 : index
      %swap3A_1075 = vector.load %arg39[%swap3A_1073, %swap3A_1074] : memref<256x256xf32, #tpu.memory_space<vmem>>, vector<1x256xf32>
      tpu.vector_store %arg39[%swap3A_1073, %swap3A_1074], %add3A_1072 {strides = array<i32>} : memref<256x256xf32, #tpu.memory_space<vmem>>, vector<1x256xf32>,
      %scan3A_1076 = arith.constant 2 : i32
      %scan3A_1077 = arith.addi %scan3A_1047, %scan3A_1076 : i32
      %get3A_1078 = arith.constant 1 : index
      %get3A_1079 = arith.index_cast %scan3A_1077 : i32 to index
      %get3A_1080 = memref.load %arg0[%get3A_1078, %get3A_1079] : memref<2x4096xi32, #tpu.memory_space<smem>>
      %get3A_1081 = arith.index_cast %get3A_1080 : i32 to index
      %get3A_1082 = arith.constant 0 : index
      %get3A_1083 = vector.load %arg39[%get3A_1081, %get3A_1082] : memref<256x256xf32, #tpu.memory_space<vmem>>, vector<1x256xf32>
      %get3A_1084 = arith.index_cast %scan3A_1077 : i32 to index
      %get3A_1085 = arith.constant 0 : index
      %get3A_1086 = vector.load %arg38[%get3A_1084, %get3A_1085] : memref<4096x256xf32, #tpu.memory_space<vmem>>, vector<1x256xf32>
      %add3A_1087 = arith.addf %get3A_1083, %get3A_1086 : vector<1x256xf32>
      %swap3A_1088 = arith.index_cast %get3A_1080 : i32 to index
      %swap3A_1089 = arith.constant 0 : index
      %swap3A_1090 = vector.load %arg39[%swap3A_1088, %swap3A_1089] : memref<256x256xf32, #tpu.memory_space<vmem>>, vector<1x256xf32>
      tpu.vector_store %arg39[%swap3A_1088, %swap3A_1089], %add3A_1087 {strides = array<i32>} : memref<256x256xf32, #tpu.memory_space<vmem>>, vector<1x256xf32>,
      %scan3A_1091 = arith.constant 3 : i32
      %scan3A_1092 = arith.addi %scan3A_1047, %scan3A_1091 : i32
      %get3A_1093 = arith.constant 1 : index
      %get3A_1094 = arith.index_cast %scan3A_1092 : i32 to index
      %get3A_1095 = memref.load %arg0[%get3A_1093, %get3A_1094] : memref<2x4096xi32, #tpu.memory_space<smem>>
      %get3A_1096 = arith.index_cast %get3A_1095 : i32 to index
      %get3A_1097 = arith.constant 0 : index
      %get3A_1098 = vector.load %arg39[%get3A_1096, %get3A_1097] : memref<256x256xf32, #tpu.memory_space<vmem>>, vector<1x256xf32>
      %get3A_1099 = arith.index_cast %scan3A_1092 : i32 to index
      %get3A_1100 = arith.constant 0 : index
      %get3A_1101 = vector.load %arg38[%get3A_1099, %get3A_1100] : memref<4096x256xf32, #tpu.memory_space<vmem>>, vector<1x256xf32>
      %add3A_1102 = arith.addf %get3A_1098, %get3A_1101 : vector<1x256xf32>
      %swap3A_1103 = arith.index_cast %get3A_1095 : i32 to index
      %swap3A_1104 = arith.constant 0 : index
      %swap3A_1105 = vector.load %arg39[%swap3A_1103, %swap3A_1104] : memref<256x256xf32, #tpu.memory_space<vmem>>, vector<1x256xf32>
      tpu.vector_store %arg39[%swap3A_1103, %swap3A_1104], %add3A_1102 {strides = array<i32>} : memref<256x256xf32, #tpu.memory_space<vmem>>, vector<1x256xf32>,
      %scan3A_1106 = arith.constant 4 : i32
      %scan3A_1107 = arith.addi %scan3A_1047, %scan3A_1106 : i32
      %get3A_1108 = arith.constant 1 : index
      %get3A_1109 = arith.index_cast %scan3A_1107 : i32 to index
      %get3A_1110 = memref.load %arg0[%get3A_1108, %get3A_1109] : memref<2x4096xi32, #tpu.memory_space<smem>>
      %get3A_1111 = arith.index_cast %get3A_1110 : i32 to index
      %get3A_1112 = arith.constant 0 : index
      %get3A_1113 = vector.load %arg39[%get3A_1111, %get3A_1112] : memref<256x256xf32, #tpu.memory_space<vmem>>, vector<1x256xf32>
      %get3A_1114 = arith.index_cast %scan3A_1107 : i32 to index
      %get3A_1115 = arith.constant 0 : index
      %get3A_1116 = vector.load %arg38[%get3A_1114, %get3A_1115] : memref<4096x256xf32, #tpu.memory_space<vmem>>, vector<1x256xf32>
      %add3A_1117 = arith.addf %get3A_1113, %get3A_1116 : vector<1x256xf32>
      %swap3A_1118 = arith.index_cast %get3A_1110 : i32 to index
      %swap3A_1119 = arith.constant 0 : index
      %swap3A_1120 = vector.load %arg39[%swap3A_1118, %swap3A_1119] : memref<256x256xf32, #tpu.memory_space<vmem>>, vector<1x256xf32>
      tpu.vector_store %arg39[%swap3A_1118, %swap3A_1119], %add3A_1117 {strides = array<i32>} : memref<256x256xf32, #tpu.memory_space<vmem>>, vector<1x256xf32>,
      %scan3A_1121 = arith.constant 5 : i32
      %scan3A_1122 = arith.addi %scan3A_1047, %scan3A_1121 : i32
      %get3A_1123 = arith.constant 1 : index
      %get3A_1124 = arith.index_cast %scan3A_1122 : i32 to index
      %get3A_1125 = memref.load %arg0[%get3A_1123, %get3A_1124] : memref<2x4096xi32, #tpu.memory_space<smem>>
      %get3A_1126 = arith.index_cast %get3A_1125 : i32 to index
      %get3A_1127 = arith.constant 0 : index
      %get3A_1128 = vector.load %arg39[%get3A_1126, %get3A_1127] : memref<256x256xf32, #tpu.memory_space<vmem>>, vector<1x256xf32>
      %get3A_1129 = arith.index_cast %scan3A_1122 : i32 to index
      %get3A_1130 = arith.constant 0 : index
      %get3A_1131 = vector.load %arg38[%get3A_1129, %get3A_1130] : memref<4096x256xf32, #tpu.memory_space<vmem>>, vector<1x256xf32>
      %add3A_1132 = arith.addf %get3A_1128, %get3A_1131 : vector<1x256xf32>
      %swap3A_1133 = arith.index_cast %get3A_1125 : i32 to index
      %swap3A_1134 = arith.constant 0 : index
      %swap3A_1135 = vector.load %arg39[%swap3A_1133, %swap3A_1134] : memref<256x256xf32, #tpu.memory_space<vmem>>, vector<1x256xf32>
      tpu.vector_store %arg39[%swap3A_1133, %swap3A_1134], %add3A_1132 {strides = array<i32>} : memref<256x256xf32, #tpu.memory_space<vmem>>, vector<1x256xf32>,
      %scan3A_1136 = arith.constant 6 : i32
      %scan3A_1137 = arith.addi %scan3A_1047, %scan3A_1136 : i32
      %get3A_1138 = arith.constant 1 : index
      %get3A_1139 = arith.index_cast %scan3A_1137 : i32 to index
      %get3A_1140 = memref.load %arg0[%get3A_1138, %get3A_1139] : memref<2x4096xi32, #tpu.memory_space<smem>>
      %get3A_1141 = arith.index_cast %get3A_1140 : i32 to index
      %get3A_1142 = arith.constant 0 : index
      %get3A_1143 = vector.load %arg39[%get3A_1141, %get3A_1142] : memref<256x256xf32, #tpu.memory_space<vmem>>, vector<1x256xf32>
      %get3A_1144 = arith.index_cast %scan3A_1137 : i32 to index
      %get3A_1145 = arith.constant 0 : index
      %get3A_1146 = vector.load %arg38[%get3A_1144, %get3A_1145] : memref<4096x256xf32, #tpu.memory_space<vmem>>, vector<1x256xf32>
      %add3A_1147 = arith.addf %get3A_1143, %get3A_1146 : vector<1x256xf32>
      %swap3A_1148 = arith.index_cast %get3A_1140 : i32 to index
      %swap3A_1149 = arith.constant 0 : index
      %swap3A_1150 = vector.load %arg39[%swap3A_1148, %swap3A_1149] : memref<256x256xf32, #tpu.memory_space<vmem>>, vector<1x256xf32>
      tpu.vector_store %arg39[%swap3A_1148, %swap3A_1149], %add3A_1147 {strides = array<i32>} : memref<256x256xf32, #tpu.memory_space<vmem>>, vector<1x256xf32>,
      %scan3A_1151 = arith.constant 7 : i32
      %scan3A_1152 = arith.addi %scan3A_1047, %scan3A_1151 : i32
      %get3A_1153 = arith.constant 1 : index
      %get3A_1154 = arith.index_cast %scan3A_1152 : i32 to index
      %get3A_1155 = memref.load %arg0[%get3A_1153, %get3A_1154] : memref<2x4096xi32, #tpu.memory_space<smem>>
      %get3A_1156 = arith.index_cast %get3A_1155 : i32 to index
      %get3A_1157 = arith.constant 0 : index
      %get3A_1158 = vector.load %arg39[%get3A_1156, %get3A_1157] : memref<256x256xf32, #tpu.memory_space<vmem>>, vector<1x256xf32>
      %get3A_1159 = arith.index_cast %scan3A_1152 : i32 to index
      %get3A_1160 = arith.constant 0 : index
      %get3A_1161 = vector.load %arg38[%get3A_1159, %get3A_1160] : memref<4096x256xf32, #tpu.memory_space<vmem>>, vector<1x256xf32>
      %add3A_1162 = arith.addf %get3A_1158, %get3A_1161 : vector<1x256xf32>
      %swap3A_1163 = arith.index_cast %get3A_1155 : i32 to index
      %swap3A_1164 = arith.constant 0 : index
      %swap3A_1165 = vector.load %arg39[%swap3A_1163, %swap3A_1164] : memref<256x256xf32, #tpu.memory_space<vmem>>, vector<1x256xf32>
      tpu.vector_store %arg39[%swap3A_1163, %swap3A_1164], %add3A_1162 {strides = array<i32>} : memref<256x256xf32, #tpu.memory_space<vmem>>, vector<1x256xf32>,
    }
    %scan3A_649 = arith.constant 4096 : i32
    %get3A_650 = arith.constant 0 : index
    %get3A_651 = arith.constant 0 : index
    %get3A_652 = vector.load %arg39[%get3A_650, %get3A_651] : memref<256x256xf32, #tpu.memory_space<vmem>>, vector<256x256xf32>
    %get3A_653 = arith.constant 4 : index
    %get3A_654 = arith.constant 0 : index
    %get3A_655 = arith.constant 0 : index
    %get3A_656 = vector.load %arg12[%get3A_653, %get3A_654, %get3A_655] : memref<6x512x256xf32, #tpu.memory_space<vmem>>, vector<1x256x256xf32>
    %get3A_657 = vector.shape_cast %get3A_656 : vector<1x256x256xf32> to vector<256x256xf32>
    %convert_element_type3A_658 = arith.truncf %max3A_589 : vector<256x256xf32> to vector<256x256xbf16>
    %convert_element_type3A_659 = arith.truncf %get3A_657 : vector<256x256xf32> to vector<256x256xbf16>
    %dot_general3A_660 = arith.constant dense<0.000000e+00> : vector<256x256xf32>
    %dot_general3A_661 = tpu.matmul %convert_element_type3A_658, %convert_element_type3A_659, %dot_general3A_660 {dimension_numbers = #tpu.dot_dimension_numbers<[1], [0], [0], [1], [0, 0, 1, 1], [], []>, transpose_lhs_hint = false} : vector<256x256xbf16>, vector<256x256xbf16>, vector<256x256xf32> -> vector<256x256xf32>
    %get3A_662 = arith.constant 4 : index
    %get3A_663 = arith.constant 256 : index
    %get3A_664 = arith.constant 0 : index
    %get3A_665 = vector.load %arg12[%get3A_662, %get3A_663, %get3A_664] : memref<6x512x256xf32, #tpu.memory_space<vmem>>, vector<1x256x256xf32>
    %get3A_666 = vector.shape_cast %get3A_665 : vector<1x256x256xf32> to vector<256x256xf32>
    %convert_element_type3A_667 = arith.truncf %get3A_652 : vector<256x256xf32> to vector<256x256xbf16>
    %convert_element_type3A_668 = arith.truncf %get3A_666 : vector<256x256xf32> to vector<256x256xbf16>
    %dot_general3A_669 = arith.constant dense<0.000000e+00> : vector<256x256xf32>
    %dot_general3A_670 = tpu.matmul %convert_element_type3A_667, %convert_element_type3A_668, %dot_general3A_669 {dimension_numbers = #tpu.dot_dimension_numbers<[1], [0], [0], [1], [0, 0, 1, 1], [], []>, transpose_lhs_hint = false} : vector<256x256xbf16>, vector<256x256xbf16>, vector<256x256xf32> -> vector<256x256xf32>
    %add3A_671 = arith.addf %dot_general3A_661, %dot_general3A_670 : vector<256x256xf32>
    %get3A_672 = arith.constant 4 : index
    %get3A_673 = arith.constant 0 : index
    %get3A_674 = arith.constant 0 : index
    %get3A_675 = vector.load %arg13[%get3A_672, %get3A_673, %get3A_674] : memref<6x1x256xf32, #tpu.memory_space<vmem>>, vector<1x1x256xf32>
    %get3A_676 = vector.shape_cast %get3A_675 : vector<1x1x256xf32> to vector<1x256xf32>
    %add3A_677 = vector.broadcast %get3A_676 : vector<1x256xf32> to vector<256x256xf32>
    %add3A_678 = arith.addf %add3A_671, %add3A_677 : vector<256x256xf32>
    %max3A_679 = arith.constant 0.000000e+00 : f32
    %max3A_680 = vector.broadcast %max3A_679 : f32 to vector<256x256xf32>
    %max3A_681 = arith.maximumf %add3A_678, %max3A_680 : vector<256x256xf32>
    %get3A_682 = arith.constant 4 : index
    %get3A_683 = arith.constant 0 : index
    %get3A_684 = arith.constant 0 : index
    %get3A_685 = vector.load %arg14[%get3A_682, %get3A_683, %get3A_684] : memref<6x256x256xf32, #tpu.memory_space<vmem>>, vector<1x256x256xf32>
    %get3A_686 = vector.shape_cast %get3A_685 : vector<1x256x256xf32> to vector<256x256xf32>
    %convert_element_type3A_687 = arith.truncf %max3A_681 : vector<256x256xf32> to vector<256x256xbf16>
    %convert_element_type3A_688 = arith.truncf %get3A_686 : vector<256x256xf32> to vector<256x256xbf16>
    %dot_general3A_689 = arith.constant dense<0.000000e+00> : vector<256x256xf32>
    %dot_general3A_690 = tpu.matmul %convert_element_type3A_687, %convert_element_type3A_688, %dot_general3A_689 {dimension_numbers = #tpu.dot_dimension_numbers<[1], [0], [0], [1], [0, 0, 1, 1], [], []>, transpose_lhs_hint = false} : vector<256x256xbf16>, vector<256x256xbf16>, vector<256x256xf32> -> vector<256x256xf32>
    %get3A_691 = arith.constant 4 : index
    %get3A_692 = arith.constant 0 : index
    %get3A_693 = arith.constant 0 : index
    %get3A_694 = vector.load %arg15[%get3A_691, %get3A_692, %get3A_693] : memref<6x1x256xf32, #tpu.memory_space<vmem>>, vector<1x1x256xf32>
    %get3A_695 = vector.shape_cast %get3A_694 : vector<1x1x256xf32> to vector<1x256xf32>
    %add3A_696 = vector.broadcast %get3A_695 : vector<1x256xf32> to vector<256x256xf32>
    %add3A_697 = arith.addf %dot_general3A_690, %add3A_696 : vector<256x256xf32>
    %reduce_sum3A_698 = arith.constant dense<0.000000e+00> : vector<256xf32>
    %reduce_sum3A_699 = vector.multi_reduction <add>, %add3A_697, %reduce_sum3A_698 [1] : vector<256x256xf32> to vector<256xf32>
    %broadcast_in_dim3A_700 = vector.shape_cast %reduce_sum3A_699 : vector<256xf32> to vector<256x1xf32>
    %div3A_701 = arith.constant 2.560000e+02 : f32
    %div3A_702 = vector.broadcast %div3A_701 : f32 to vector<256x1xf32>
    %div3A_703 = arith.divf %broadcast_in_dim3A_700, %div3A_702 : vector<256x1xf32>
    %sub3A_704 = vector.broadcast %div3A_703 : vector<256x1xf32> to vector<256x256xf32>
    %sub3A_705 = arith.subf %add3A_697, %sub3A_704 : vector<256x256xf32>
    %integer_pow3A_706 = arith.mulf %sub3A_705, %sub3A_705 : vector<256x256xf32>
    %reduce_sum3A_707 = arith.constant dense<0.000000e+00> : vector<256xf32>
    %reduce_sum3A_708 = vector.multi_reduction <add>, %integer_pow3A_706, %reduce_sum3A_707 [1] : vector<256x256xf32> to vector<256xf32>
    %broadcast_in_dim3A_709 = vector.shape_cast %reduce_sum3A_708 : vector<256xf32> to vector<256x1xf32>
    %div3A_710 = arith.constant 2.560000e+02 : f32
    %div3A_711 = vector.broadcast %div3A_710 : f32 to vector<256x1xf32>
    %div3A_712 = arith.divf %broadcast_in_dim3A_709, %div3A_711 : vector<256x1xf32>
    %sub3A_713 = vector.broadcast %div3A_703 : vector<256x1xf32> to vector<256x256xf32>
    %sub3A_714 = arith.subf %add3A_697, %sub3A_713 : vector<256x256xf32>
    %add3A_715 = arith.constant 9.99999974E-6 : f32
    %add3A_716 = vector.broadcast %add3A_715 : f32 to vector<256x1xf32>
    %add3A_717 = arith.addf %div3A_712, %add3A_716 : vector<256x1xf32>
    %sqrt3A_718 = math.sqrt %add3A_717 : vector<256x1xf32>
    %div3A_719 = vector.broadcast %sqrt3A_718 : vector<256x1xf32> to vector<256x256xf32>
    %div3A_720 = arith.divf %sub3A_714, %div3A_719 : vector<256x256xf32>
    %get3A_721 = arith.constant 4 : index
    %get3A_722 = arith.constant 0 : index
    %get3A_723 = arith.constant 0 : index
    %get3A_724 = vector.load %arg16[%get3A_721, %get3A_722, %get3A_723] : memref<6x1x256xf32, #tpu.memory_space<vmem>>, vector<1x1x256xf32>
    %get3A_725 = vector.shape_cast %get3A_724 : vector<1x1x256xf32> to vector<1x256xf32>
    %mul3A_726 = vector.broadcast %get3A_725 : vector<1x256xf32> to vector<256x256xf32>
    %mul3A_727 = arith.mulf %div3A_720, %mul3A_726 : vector<256x256xf32>
    %get3A_728 = arith.constant 4 : index
    %get3A_729 = arith.constant 0 : index
    %get3A_730 = arith.constant 0 : index
    %get3A_731 = vector.load %arg17[%get3A_728, %get3A_729, %get3A_730] : memref<6x1x256xf32, #tpu.memory_space<vmem>>, vector<1x1x256xf32>
    %get3A_732 = vector.shape_cast %get3A_731 : vector<1x1x256xf32> to vector<1x256xf32>
    %add3A_733 = vector.broadcast %get3A_732 : vector<1x256xf32> to vector<256x256xf32>
    %add3A_734 = arith.addf %mul3A_727, %add3A_733 : vector<256x256xf32>
    %add3A_735 = arith.addf %add3A_734, %max3A_589 : vector<256x256xf32>
    %max3A_736 = arith.constant 0.000000e+00 : f32
    %max3A_737 = vector.broadcast %max3A_736 : f32 to vector<256x256xf32>
    %max3A_738 = arith.maximumf %add3A_735, %max3A_737 : vector<256x256xf32>
    %get3A_739 = arith.constant 5 : index
    %get3A_740 = arith.constant 0 : index
    %get3A_741 = arith.constant 0 : index
    %get3A_742 = vector.load %arg8[%get3A_739, %get3A_740, %get3A_741] : memref<6x512x256xf32, #tpu.memory_space<vmem>>, vector<1x256x256xf32>
    %get3A_743 = vector.shape_cast %get3A_742 : vector<1x256x256xf32> to vector<256x256xf32>
    %get3A_744 = arith.constant 5 : index
    %get3A_745 = arith.constant 256 : index
    %get3A_746 = arith.constant 0 : index
    %get3A_747 = vector.load %arg8[%get3A_744, %get3A_745, %get3A_746] : memref<6x512x256xf32, #tpu.memory_space<vmem>>, vector<1x256x256xf32>
    %get3A_748 = vector.shape_cast %get3A_747 : vector<1x256x256xf32> to vector<256x256xf32>
    %get3A_749 = arith.constant 5 : index
    %get3A_750 = arith.constant 0 : index
    %get3A_751 = arith.constant 0 : index
    %get3A_752 = vector.load %arg4[%get3A_749, %get3A_750, %get3A_751] : memref<6x256x256xf32, #tpu.memory_space<vmem>>, vector<1x256x256xf32>
    %get3A_753 = vector.shape_cast %get3A_752 : vector<1x256x256xf32> to vector<256x256xf32>
    %convert_element_type3A_754 = arith.truncf %max3A_738 : vector<256x256xf32> to vector<256x256xbf16>
    %convert_element_type3A_755 = arith.truncf %get3A_753 : vector<256x256xf32> to vector<256x256xbf16>
    %dot_general3A_756 = arith.constant dense<0.000000e+00> : vector<256x256xf32>
    %dot_general3A_757 = tpu.matmul %convert_element_type3A_754, %convert_element_type3A_755, %dot_general3A_756 {dimension_numbers = #tpu.dot_dimension_numbers<[1], [0], [0], [1], [0, 0, 1, 1], [], []>, transpose_lhs_hint = false} : vector<256x256xbf16>, vector<256x256xbf16>, vector<256x256xf32> -> vector<256x256xf32>
    %get3A_758 = arith.constant 5 : index
    %get3A_759 = arith.constant 0 : index
    %get3A_760 = arith.constant 0 : index
    %get3A_761 = vector.load %arg5[%get3A_758, %get3A_759, %get3A_760] : memref<6x1x256xf32, #tpu.memory_space<vmem>>, vector<1x1x256xf32>
    %get3A_762 = vector.shape_cast %get3A_761 : vector<1x1x256xf32> to vector<1x256xf32>
    %add3A_763 = vector.broadcast %get3A_762 : vector<1x256xf32> to vector<256x256xf32>
    %add3A_764 = arith.addf %dot_general3A_757, %add3A_763 : vector<256x256xf32>
    %convert_element_type3A_765 = arith.truncf %add3A_764 : vector<256x256xf32> to vector<256x256xbf16>
    %convert_element_type3A_766 = arith.truncf %get3A_743 : vector<256x256xf32> to vector<256x256xbf16>
    %dot_general3A_767 = arith.constant dense<0.000000e+00> : vector<256x256xf32>
    %dot_general3A_768 = tpu.matmul %convert_element_type3A_765, %convert_element_type3A_766, %dot_general3A_767 {dimension_numbers = #tpu.dot_dimension_numbers<[1], [0], [0], [1], [0, 0, 1, 1], [], []>, transpose_lhs_hint = false} : vector<256x256xbf16>, vector<256x256xbf16>, vector<256x256xf32> -> vector<256x256xf32>
    %get3A_769 = arith.constant 5 : index
    %get3A_770 = arith.constant 0 : index
    %get3A_771 = arith.constant 0 : index
    %get3A_772 = vector.load %arg9[%get3A_769, %get3A_770, %get3A_771] : memref<6x1x256xf32, #tpu.memory_space<vmem>>, vector<1x1x256xf32>
    %get3A_773 = vector.shape_cast %get3A_772 : vector<1x1x256xf32> to vector<1x256xf32>
    %get3A_774 = arith.constant 5 : index
    %get3A_775 = arith.constant 0 : index
    %get3A_776 = arith.constant 0 : index
    %get3A_777 = vector.load %arg11[%get3A_774, %get3A_775, %get3A_776] : memref<6x1x256xf32, #tpu.memory_space<vmem>>, vector<1x1x256xf32>
    %get3A_778 = vector.shape_cast %get3A_777 : vector<1x1x256xf32> to vector<1x256xf32>
    %get3A_779 = arith.constant 5 : index
    %get3A_780 = arith.constant 0 : index
    %get3A_781 = arith.constant 0 : index
    %get3A_782 = vector.load %arg10[%get3A_779, %get3A_780, %get3A_781] : memref<6x256x256xf32, #tpu.memory_space<vmem>>, vector<1x256x256xf32>
    %get3A_783 = vector.shape_cast %get3A_782 : vector<1x256x256xf32> to vector<256x256xf32>
    %scan3A_784 = arith.constant 0 : i32
    %scan3A_785 = arith.constant 8 : i32
    %scan3A_786 = arith.addi %scan3A_784, %scan3A_785 : i32
    %scan3A_787 = arith.constant 1 : i32
    scf.for %scan3A_1047 = %scan3A_784 to %scan3A_786 step %scan3A_787  : i32 {
      %mul3A_1048 = arith.constant 512 : i32
      %mul3A_1049 = arith.muli %scan3A_1047, %mul3A_1048 : i32
      %get3A_1050 = arith.index_cast %mul3A_1049 : i32 to index
      %get3A_1051 = arith.constant 0 : index
      %get3A_1052 = vector.load %arg37[%get3A_1050, %get3A_1051] : memref<4096x256xf32, #tpu.memory_space<vmem>>, vector<512x256xf32>
      %get3A_1053 = arith.index_cast %mul3A_1049 : i32 to index
      %get3A_1054 = arith.constant 0 : index
      %get3A_1055 = vector.load %arg2[%get3A_1053, %get3A_1054] : memref<4096x16xf32, #tpu.memory_space<vmem>>, vector<512x16xf32>
      %get3A_1056 = arith.constant 5 : index
      %get3A_1057 = arith.constant 0 : index
      %get3A_1058 = arith.constant 0 : index
      %get3A_1059 = vector.load %arg6[%get3A_1056, %get3A_1057, %get3A_1058] : memref<6x16x256xf32, #tpu.memory_space<vmem>>, vector<1x16x256xf32>
      %get3A_1060 = vector.shape_cast %get3A_1059 : vector<1x16x256xf32> to vector<16x256xf32>
      %convert_element_type3A_1061 = arith.truncf %get3A_1055 : vector<512x16xf32> to vector<512x16xbf16>
      %convert_element_type3A_1062 = arith.truncf %get3A_1060 : vector<16x256xf32> to vector<16x256xbf16>
      %dot_general3A_1063 = arith.constant dense<0.000000e+00> : vector<512x256xf32>
      %dot_general3A_1064 = tpu.matmul %convert_element_type3A_1061, %convert_element_type3A_1062, %dot_general3A_1063 {dimension_numbers = #tpu.dot_dimension_numbers<[1], [0], [0], [1], [0, 0, 1, 1], [], []>, transpose_lhs_hint = false} : vector<512x16xbf16>, vector<16x256xbf16>, vector<512x256xf32> -> vector<512x256xf32>
      %get3A_1065 = arith.constant 5 : index
      %get3A_1066 = arith.constant 0 : index
      %get3A_1067 = arith.constant 0 : index
      %get3A_1068 = vector.load %arg7[%get3A_1065, %get3A_1066, %get3A_1067] : memref<6x1x256xf32, #tpu.memory_space<vmem>>, vector<1x1x256xf32>
      %get3A_1069 = vector.shape_cast %get3A_1068 : vector<1x1x256xf32> to vector<1x256xf32>
      %add3A_1070 = vector.broadcast %get3A_1069 : vector<1x256xf32> to vector<512x256xf32>
      %add3A_1071 = arith.addf %dot_general3A_1064, %add3A_1070 : vector<512x256xf32>
      %convert_element_type3A_1072 = arith.truncf %add3A_1071 : vector<512x256xf32> to vector<512x256xbf16>
      %convert_element_type3A_1073 = arith.truncf %get3A_748 : vector<256x256xf32> to vector<256x256xbf16>
      %dot_general3A_1074 = arith.constant dense<0.000000e+00> : vector<512x256xf32>
      %dot_general3A_1075 = tpu.matmul %convert_element_type3A_1072, %convert_element_type3A_1073, %dot_general3A_1074 {dimension_numbers = #tpu.dot_dimension_numbers<[1], [0], [0], [1], [0, 0, 1, 1], [], []>, transpose_lhs_hint = false} : vector<512x256xbf16>, vector<256x256xbf16>, vector<512x256xf32> -> vector<512x256xf32>
      %dot_general3A_1076 = arith.constant dense<0.000000e+00> : vector<512x256xf32>
      %dot_general3A_1077 = tpu.matmul %get3A_1052, %dot_general3A_768, %dot_general3A_1076 {dimension_numbers = #tpu.dot_dimension_numbers<[1], [0], [0], [1], [0, 0, 1, 1], [], []>, precision = #tpu.contract_precision<fp32>, transpose_lhs_hint = false} : vector<512x256xf32>, vector<256x256xf32>, vector<512x256xf32> -> vector<512x256xf32>
      %add3A_1078 = arith.addf %dot_general3A_1077, %dot_general3A_1075 : vector<512x256xf32>
      %add3A_1079 = vector.broadcast %get3A_773 : vector<1x256xf32> to vector<512x256xf32>
      %add3A_1080 = arith.addf %add3A_1078, %add3A_1079 : vector<512x256xf32>
      %max3A_1081 = arith.constant 0.000000e+00 : f32
      %max3A_1082 = vector.broadcast %max3A_1081 : f32 to vector<512x256xf32>
      %max3A_1083 = arith.maximumf %add3A_1080, %max3A_1082 : vector<512x256xf32>
      %convert_element_type3A_1084 = arith.truncf %max3A_1083 : vector<512x256xf32> to vector<512x256xbf16>
      %convert_element_type3A_1085 = arith.truncf %get3A_783 : vector<256x256xf32> to vector<256x256xbf16>
      %dot_general3A_1086 = arith.constant dense<0.000000e+00> : vector<512x256xf32>
      %dot_general3A_1087 = tpu.matmul %convert_element_type3A_1084, %convert_element_type3A_1085, %dot_general3A_1086 {dimension_numbers = #tpu.dot_dimension_numbers<[1], [0], [0], [1], [0, 0, 1, 1], [], []>, transpose_lhs_hint = false} : vector<512x256xbf16>, vector<256x256xbf16>, vector<512x256xf32> -> vector<512x256xf32>
      %add3A_1088 = vector.broadcast %get3A_778 : vector<1x256xf32> to vector<512x256xf32>
      %add3A_1089 = arith.addf %dot_general3A_1087, %add3A_1088 : vector<512x256xf32>
      %swap3A_1090 = arith.index_cast %mul3A_1049 : i32 to index
      %swap3A_1091 = arith.constant 0 : index
      %swap3A_1092 = vector.load %arg38[%swap3A_1090, %swap3A_1091] : memref<4096x256xf32, #tpu.memory_space<vmem>>, vector<512x256xf32>
      tpu.vector_store %arg38[%swap3A_1090, %swap3A_1091], %add3A_1089 {strides = array<i32>} : memref<4096x256xf32, #tpu.memory_space<vmem>>, vector<512x256xf32>,
    }
    %scan3A_788 = arith.constant 8 : i32
    %broadcast_in_dim3A_789 = arith.constant 0.000000e+00 : f32
    %broadcast_in_dim3A_790 = vector.broadcast %broadcast_in_dim3A_789 : f32 to vector<256x256xf32>
    %swap3A_791 = arith.constant 0 : index
    %swap3A_792 = arith.constant 0 : index
    %swap3A_793 = vector.load %arg39[%swap3A_791, %swap3A_792] : memref<256x256xf32, #tpu.memory_space<vmem>>, vector<256x256xf32>
    tpu.vector_store %arg39[%swap3A_791, %swap3A_792], %broadcast_in_dim3A_790 {strides = array<i32>} : memref<256x256xf32, #tpu.memory_space<vmem>>, vector<256x256xf32>,
    %scan3A_794 = arith.constant 0 : i32
    %scan3A_795 = arith.constant 4096 : i32
    %scan3A_796 = arith.addi %scan3A_794, %scan3A_795 : i32
    %scan3A_797 = arith.constant 8 : i32
    scf.for %scan3A_1047 = %scan3A_794 to %scan3A_796 step %scan3A_797  : i32 {
      %get3A_1048 = arith.constant 1 : index
      %get3A_1049 = arith.index_cast %scan3A_1047 : i32 to index
      %get3A_1050 = memref.load %arg0[%get3A_1048, %get3A_1049] : memref<2x4096xi32, #tpu.memory_space<smem>>
      %get3A_1051 = arith.index_cast %get3A_1050 : i32 to index
      %get3A_1052 = arith.constant 0 : index
      %get3A_1053 = vector.load %arg39[%get3A_1051, %get3A_1052] : memref<256x256xf32, #tpu.memory_space<vmem>>, vector<1x256xf32>
      %get3A_1054 = arith.index_cast %scan3A_1047 : i32 to index
      %get3A_1055 = arith.constant 0 : index
      %get3A_1056 = vector.load %arg38[%get3A_1054, %get3A_1055] : memref<4096x256xf32, #tpu.memory_space<vmem>>, vector<1x256xf32>
      %add3A_1057 = arith.addf %get3A_1053, %get3A_1056 : vector<1x256xf32>
      %swap3A_1058 = arith.index_cast %get3A_1050 : i32 to index
      %swap3A_1059 = arith.constant 0 : index
      %swap3A_1060 = vector.load %arg39[%swap3A_1058, %swap3A_1059] : memref<256x256xf32, #tpu.memory_space<vmem>>, vector<1x256xf32>
      tpu.vector_store %arg39[%swap3A_1058, %swap3A_1059], %add3A_1057 {strides = array<i32>} : memref<256x256xf32, #tpu.memory_space<vmem>>, vector<1x256xf32>,
      %scan3A_1061 = arith.constant 1 : i32
      %scan3A_1062 = arith.addi %scan3A_1047, %scan3A_1061 : i32
      %get3A_1063 = arith.constant 1 : index
      %get3A_1064 = arith.index_cast %scan3A_1062 : i32 to index
      %get3A_1065 = memref.load %arg0[%get3A_1063, %get3A_1064] : memref<2x4096xi32, #tpu.memory_space<smem>>
      %get3A_1066 = arith.index_cast %get3A_1065 : i32 to index
      %get3A_1067 = arith.constant 0 : index
      %get3A_1068 = vector.load %arg39[%get3A_1066, %get3A_1067] : memref<256x256xf32, #tpu.memory_space<vmem>>, vector<1x256xf32>
      %get3A_1069 = arith.index_cast %scan3A_1062 : i32 to index
      %get3A_1070 = arith.constant 0 : index
      %get3A_1071 = vector.load %arg38[%get3A_1069, %get3A_1070] : memref<4096x256xf32, #tpu.memory_space<vmem>>, vector<1x256xf32>
      %add3A_1072 = arith.addf %get3A_1068, %get3A_1071 : vector<1x256xf32>
      %swap3A_1073 = arith.index_cast %get3A_1065 : i32 to index
      %swap3A_1074 = arith.constant 0 : index
      %swap3A_1075 = vector.load %arg39[%swap3A_1073, %swap3A_1074] : memref<256x256xf32, #tpu.memory_space<vmem>>, vector<1x256xf32>
      tpu.vector_store %arg39[%swap3A_1073, %swap3A_1074], %add3A_1072 {strides = array<i32>} : memref<256x256xf32, #tpu.memory_space<vmem>>, vector<1x256xf32>,
      %scan3A_1076 = arith.constant 2 : i32
      %scan3A_1077 = arith.addi %scan3A_1047, %scan3A_1076 : i32
      %get3A_1078 = arith.constant 1 : index
      %get3A_1079 = arith.index_cast %scan3A_1077 : i32 to index
      %get3A_1080 = memref.load %arg0[%get3A_1078, %get3A_1079] : memref<2x4096xi32, #tpu.memory_space<smem>>
      %get3A_1081 = arith.index_cast %get3A_1080 : i32 to index
      %get3A_1082 = arith.constant 0 : index
      %get3A_1083 = vector.load %arg39[%get3A_1081, %get3A_1082] : memref<256x256xf32, #tpu.memory_space<vmem>>, vector<1x256xf32>
      %get3A_1084 = arith.index_cast %scan3A_1077 : i32 to index
      %get3A_1085 = arith.constant 0 : index
      %get3A_1086 = vector.load %arg38[%get3A_1084, %get3A_1085] : memref<4096x256xf32, #tpu.memory_space<vmem>>, vector<1x256xf32>
      %add3A_1087 = arith.addf %get3A_1083, %get3A_1086 : vector<1x256xf32>
      %swap3A_1088 = arith.index_cast %get3A_1080 : i32 to index
      %swap3A_1089 = arith.constant 0 : index
      %swap3A_1090 = vector.load %arg39[%swap3A_1088, %swap3A_1089] : memref<256x256xf32, #tpu.memory_space<vmem>>, vector<1x256xf32>
      tpu.vector_store %arg39[%swap3A_1088, %swap3A_1089], %add3A_1087 {strides = array<i32>} : memref<256x256xf32, #tpu.memory_space<vmem>>, vector<1x256xf32>,
      %scan3A_1091 = arith.constant 3 : i32
      %scan3A_1092 = arith.addi %scan3A_1047, %scan3A_1091 : i32
      %get3A_1093 = arith.constant 1 : index
      %get3A_1094 = arith.index_cast %scan3A_1092 : i32 to index
      %get3A_1095 = memref.load %arg0[%get3A_1093, %get3A_1094] : memref<2x4096xi32, #tpu.memory_space<smem>>
      %get3A_1096 = arith.index_cast %get3A_1095 : i32 to index
      %get3A_1097 = arith.constant 0 : index
      %get3A_1098 = vector.load %arg39[%get3A_1096, %get3A_1097] : memref<256x256xf32, #tpu.memory_space<vmem>>, vector<1x256xf32>
      %get3A_1099 = arith.index_cast %scan3A_1092 : i32 to index
      %get3A_1100 = arith.constant 0 : index
      %get3A_1101 = vector.load %arg38[%get3A_1099, %get3A_1100] : memref<4096x256xf32, #tpu.memory_space<vmem>>, vector<1x256xf32>
      %add3A_1102 = arith.addf %get3A_1098, %get3A_1101 : vector<1x256xf32>
      %swap3A_1103 = arith.index_cast %get3A_1095 : i32 to index
      %swap3A_1104 = arith.constant 0 : index
      %swap3A_1105 = vector.load %arg39[%swap3A_1103, %swap3A_1104] : memref<256x256xf32, #tpu.memory_space<vmem>>, vector<1x256xf32>
      tpu.vector_store %arg39[%swap3A_1103, %swap3A_1104], %add3A_1102 {strides = array<i32>} : memref<256x256xf32, #tpu.memory_space<vmem>>, vector<1x256xf32>,
      %scan3A_1106 = arith.constant 4 : i32
      %scan3A_1107 = arith.addi %scan3A_1047, %scan3A_1106 : i32
      %get3A_1108 = arith.constant 1 : index
      %get3A_1109 = arith.index_cast %scan3A_1107 : i32 to index
      %get3A_1110 = memref.load %arg0[%get3A_1108, %get3A_1109] : memref<2x4096xi32, #tpu.memory_space<smem>>
      %get3A_1111 = arith.index_cast %get3A_1110 : i32 to index
      %get3A_1112 = arith.constant 0 : index
      %get3A_1113 = vector.load %arg39[%get3A_1111, %get3A_1112] : memref<256x256xf32, #tpu.memory_space<vmem>>, vector<1x256xf32>
      %get3A_1114 = arith.index_cast %scan3A_1107 : i32 to index
      %get3A_1115 = arith.constant 0 : index
      %get3A_1116 = vector.load %arg38[%get3A_1114, %get3A_1115] : memref<4096x256xf32, #tpu.memory_space<vmem>>, vector<1x256xf32>
      %add3A_1117 = arith.addf %get3A_1113, %get3A_1116 : vector<1x256xf32>
      %swap3A_1118 = arith.index_cast %get3A_1110 : i32 to index
      %swap3A_1119 = arith.constant 0 : index
      %swap3A_1120 = vector.load %arg39[%swap3A_1118, %swap3A_1119] : memref<256x256xf32, #tpu.memory_space<vmem>>, vector<1x256xf32>
      tpu.vector_store %arg39[%swap3A_1118, %swap3A_1119], %add3A_1117 {strides = array<i32>} : memref<256x256xf32, #tpu.memory_space<vmem>>, vector<1x256xf32>,
      %scan3A_1121 = arith.constant 5 : i32
      %scan3A_1122 = arith.addi %scan3A_1047, %scan3A_1121 : i32
      %get3A_1123 = arith.constant 1 : index
      %get3A_1124 = arith.index_cast %scan3A_1122 : i32 to index
      %get3A_1125 = memref.load %arg0[%get3A_1123, %get3A_1124] : memref<2x4096xi32, #tpu.memory_space<smem>>
      %get3A_1126 = arith.index_cast %get3A_1125 : i32 to index
      %get3A_1127 = arith.constant 0 : index
      %get3A_1128 = vector.load %arg39[%get3A_1126, %get3A_1127] : memref<256x256xf32, #tpu.memory_space<vmem>>, vector<1x256xf32>
      %get3A_1129 = arith.index_cast %scan3A_1122 : i32 to index
      %get3A_1130 = arith.constant 0 : index
      %get3A_1131 = vector.load %arg38[%get3A_1129, %get3A_1130] : memref<4096x256xf32, #tpu.memory_space<vmem>>, vector<1x256xf32>
      %add3A_1132 = arith.addf %get3A_1128, %get3A_1131 : vector<1x256xf32>
      %swap3A_1133 = arith.index_cast %get3A_1125 : i32 to index
      %swap3A_1134 = arith.constant 0 : index
      %swap3A_1135 = vector.load %arg39[%swap3A_1133, %swap3A_1134] : memref<256x256xf32, #tpu.memory_space<vmem>>, vector<1x256xf32>
      tpu.vector_store %arg39[%swap3A_1133, %swap3A_1134], %add3A_1132 {strides = array<i32>} : memref<256x256xf32, #tpu.memory_space<vmem>>, vector<1x256xf32>,
      %scan3A_1136 = arith.constant 6 : i32
      %scan3A_1137 = arith.addi %scan3A_1047, %scan3A_1136 : i32
      %get3A_1138 = arith.constant 1 : index
      %get3A_1139 = arith.index_cast %scan3A_1137 : i32 to index
      %get3A_1140 = memref.load %arg0[%get3A_1138, %get3A_1139] : memref<2x4096xi32, #tpu.memory_space<smem>>
      %get3A_1141 = arith.index_cast %get3A_1140 : i32 to index
      %get3A_1142 = arith.constant 0 : index
      %get3A_1143 = vector.load %arg39[%get3A_1141, %get3A_1142] : memref<256x256xf32, #tpu.memory_space<vmem>>, vector<1x256xf32>
      %get3A_1144 = arith.index_cast %scan3A_1137 : i32 to index
      %get3A_1145 = arith.constant 0 : index
      %get3A_1146 = vector.load %arg38[%get3A_1144, %get3A_1145] : memref<4096x256xf32, #tpu.memory_space<vmem>>, vector<1x256xf32>
      %add3A_1147 = arith.addf %get3A_1143, %get3A_1146 : vector<1x256xf32>
      %swap3A_1148 = arith.index_cast %get3A_1140 : i32 to index
      %swap3A_1149 = arith.constant 0 : index
      %swap3A_1150 = vector.load %arg39[%swap3A_1148, %swap3A_1149] : memref<256x256xf32, #tpu.memory_space<vmem>>, vector<1x256xf32>
      tpu.vector_store %arg39[%swap3A_1148, %swap3A_1149], %add3A_1147 {strides = array<i32>} : memref<256x256xf32, #tpu.memory_space<vmem>>, vector<1x256xf32>,
      %scan3A_1151 = arith.constant 7 : i32
      %scan3A_1152 = arith.addi %scan3A_1047, %scan3A_1151 : i32
      %get3A_1153 = arith.constant 1 : index
      %get3A_1154 = arith.index_cast %scan3A_1152 : i32 to index
      %get3A_1155 = memref.load %arg0[%get3A_1153, %get3A_1154] : memref<2x4096xi32, #tpu.memory_space<smem>>
      %get3A_1156 = arith.index_cast %get3A_1155 : i32 to index
      %get3A_1157 = arith.constant 0 : index
      %get3A_1158 = vector.load %arg39[%get3A_1156, %get3A_1157] : memref<256x256xf32, #tpu.memory_space<vmem>>, vector<1x256xf32>
      %get3A_1159 = arith.index_cast %scan3A_1152 : i32 to index
      %get3A_1160 = arith.constant 0 : index
      %get3A_1161 = vector.load %arg38[%get3A_1159, %get3A_1160] : memref<4096x256xf32, #tpu.memory_space<vmem>>, vector<1x256xf32>
      %add3A_1162 = arith.addf %get3A_1158, %get3A_1161 : vector<1x256xf32>
      %swap3A_1163 = arith.index_cast %get3A_1155 : i32 to index
      %swap3A_1164 = arith.constant 0 : index
      %swap3A_1165 = vector.load %arg39[%swap3A_1163, %swap3A_1164] : memref<256x256xf32, #tpu.memory_space<vmem>>, vector<1x256xf32>
      tpu.vector_store %arg39[%swap3A_1163, %swap3A_1164], %add3A_1162 {strides = array<i32>} : memref<256x256xf32, #tpu.memory_space<vmem>>, vector<1x256xf32>,
    }
    %scan3A_798 = arith.constant 4096 : i32
    %get3A_799 = arith.constant 0 : index
    %get3A_800 = arith.constant 0 : index
    %get3A_801 = vector.load %arg39[%get3A_799, %get3A_800] : memref<256x256xf32, #tpu.memory_space<vmem>>, vector<256x256xf32>
    %get3A_802 = arith.constant 5 : index
    %get3A_803 = arith.constant 0 : index
    %get3A_804 = arith.constant 0 : index
    %get3A_805 = vector.load %arg12[%get3A_802, %get3A_803, %get3A_804] : memref<6x512x256xf32, #tpu.memory_space<vmem>>, vector<1x256x256xf32>
    %get3A_806 = vector.shape_cast %get3A_805 : vector<1x256x256xf32> to vector<256x256xf32>
    %convert_element_type3A_807 = arith.truncf %max3A_738 : vector<256x256xf32> to vector<256x256xbf16>
    %convert_element_type3A_808 = arith.truncf %get3A_806 : vector<256x256xf32> to vector<256x256xbf16>
    %dot_general3A_809 = arith.constant dense<0.000000e+00> : vector<256x256xf32>
    %dot_general3A_810 = tpu.matmul %convert_element_type3A_807, %convert_element_type3A_808, %dot_general3A_809 {dimension_numbers = #tpu.dot_dimension_numbers<[1], [0], [0], [1], [0, 0, 1, 1], [], []>, transpose_lhs_hint = false} : vector<256x256xbf16>, vector<256x256xbf16>, vector<256x256xf32> -> vector<256x256xf32>
    %get3A_811 = arith.constant 5 : index
    %get3A_812 = arith.constant 256 : index
    %get3A_813 = arith.constant 0 : index
    %get3A_814 = vector.load %arg12[%get3A_811, %get3A_812, %get3A_813] : memref<6x512x256xf32, #tpu.memory_space<vmem>>, vector<1x256x256xf32>
    %get3A_815 = vector.shape_cast %get3A_814 : vector<1x256x256xf32> to vector<256x256xf32>
    %convert_element_type3A_816 = arith.truncf %get3A_801 : vector<256x256xf32> to vector<256x256xbf16>
    %convert_element_type3A_817 = arith.truncf %get3A_815 : vector<256x256xf32> to vector<256x256xbf16>
    %dot_general3A_818 = arith.constant dense<0.000000e+00> : vector<256x256xf32>
    %dot_general3A_819 = tpu.matmul %convert_element_type3A_816, %convert_element_type3A_817, %dot_general3A_818 {dimension_numbers = #tpu.dot_dimension_numbers<[1], [0], [0], [1], [0, 0, 1, 1], [], []>, transpose_lhs_hint = false} : vector<256x256xbf16>, vector<256x256xbf16>, vector<256x256xf32> -> vector<256x256xf32>
    %add3A_820 = arith.addf %dot_general3A_810, %dot_general3A_819 : vector<256x256xf32>
    %get3A_821 = arith.constant 5 : index
    %get3A_822 = arith.constant 0 : index
    %get3A_823 = arith.constant 0 : index
    %get3A_824 = vector.load %arg13[%get3A_821, %get3A_822, %get3A_823] : memref<6x1x256xf32, #tpu.memory_space<vmem>>, vector<1x1x256xf32>
    %get3A_825 = vector.shape_cast %get3A_824 : vector<1x1x256xf32> to vector<1x256xf32>
    %add3A_826 = vector.broadcast %get3A_825 : vector<1x256xf32> to vector<256x256xf32>
    %add3A_827 = arith.addf %add3A_820, %add3A_826 : vector<256x256xf32>
    %max3A_828 = arith.constant 0.000000e+00 : f32
    %max3A_829 = vector.broadcast %max3A_828 : f32 to vector<256x256xf32>
    %max3A_830 = arith.maximumf %add3A_827, %max3A_829 : vector<256x256xf32>
    %get3A_831 = arith.constant 5 : index
    %get3A_832 = arith.constant 0 : index
    %get3A_833 = arith.constant 0 : index
    %get3A_834 = vector.load %arg14[%get3A_831, %get3A_832, %get3A_833] : memref<6x256x256xf32, #tpu.memory_space<vmem>>, vector<1x256x256xf32>
    %get3A_835 = vector.shape_cast %get3A_834 : vector<1x256x256xf32> to vector<256x256xf32>
    %convert_element_type3A_836 = arith.truncf %max3A_830 : vector<256x256xf32> to vector<256x256xbf16>
    %convert_element_type3A_837 = arith.truncf %get3A_835 : vector<256x256xf32> to vector<256x256xbf16>
    %dot_general3A_838 = arith.constant dense<0.000000e+00> : vector<256x256xf32>
    %dot_general3A_839 = tpu.matmul %convert_element_type3A_836, %convert_element_type3A_837, %dot_general3A_838 {dimension_numbers = #tpu.dot_dimension_numbers<[1], [0], [0], [1], [0, 0, 1, 1], [], []>, transpose_lhs_hint = false} : vector<256x256xbf16>, vector<256x256xbf16>, vector<256x256xf32> -> vector<256x256xf32>
    %get3A_840 = arith.constant 5 : index
    %get3A_841 = arith.constant 0 : index
    %get3A_842 = arith.constant 0 : index
    %get3A_843 = vector.load %arg15[%get3A_840, %get3A_841, %get3A_842] : memref<6x1x256xf32, #tpu.memory_space<vmem>>, vector<1x1x256xf32>
    %get3A_844 = vector.shape_cast %get3A_843 : vector<1x1x256xf32> to vector<1x256xf32>
    %add3A_845 = vector.broadcast %get3A_844 : vector<1x256xf32> to vector<256x256xf32>
    %add3A_846 = arith.addf %dot_general3A_839, %add3A_845 : vector<256x256xf32>
    %reduce_sum3A_847 = arith.constant dense<0.000000e+00> : vector<256xf32>
    %reduce_sum3A_848 = vector.multi_reduction <add>, %add3A_846, %reduce_sum3A_847 [1] : vector<256x256xf32> to vector<256xf32>
    %broadcast_in_dim3A_849 = vector.shape_cast %reduce_sum3A_848 : vector<256xf32> to vector<256x1xf32>
    %div3A_850 = arith.constant 2.560000e+02 : f32
    %div3A_851 = vector.broadcast %div3A_850 : f32 to vector<256x1xf32>
    %div3A_852 = arith.divf %broadcast_in_dim3A_849, %div3A_851 : vector<256x1xf32>
    %sub3A_853 = vector.broadcast %div3A_852 : vector<256x1xf32> to vector<256x256xf32>
    %sub3A_854 = arith.subf %add3A_846, %sub3A_853 : vector<256x256xf32>
    %integer_pow3A_855 = arith.mulf %sub3A_854, %sub3A_854 : vector<256x256xf32>
    %reduce_sum3A_856 = arith.constant dense<0.000000e+00> : vector<256xf32>
    %reduce_sum3A_857 = vector.multi_reduction <add>, %integer_pow3A_855, %reduce_sum3A_856 [1] : vector<256x256xf32> to vector<256xf32>
    %broadcast_in_dim3A_858 = vector.shape_cast %reduce_sum3A_857 : vector<256xf32> to vector<256x1xf32>
    %div3A_859 = arith.constant 2.560000e+02 : f32
    %div3A_860 = vector.broadcast %div3A_859 : f32 to vector<256x1xf32>
    %div3A_861 = arith.divf %broadcast_in_dim3A_858, %div3A_860 : vector<256x1xf32>
    %sub3A_862 = vector.broadcast %div3A_852 : vector<256x1xf32> to vector<256x256xf32>
    %sub3A_863 = arith.subf %add3A_846, %sub3A_862 : vector<256x256xf32>
    %add3A_864 = arith.constant 9.99999974E-6 : f32
    %add3A_865 = vector.broadcast %add3A_864 : f32 to vector<256x1xf32>
    %add3A_866 = arith.addf %div3A_861, %add3A_865 : vector<256x1xf32>
    %sqrt3A_867 = math.sqrt %add3A_866 : vector<256x1xf32>
    %div3A_868 = vector.broadcast %sqrt3A_867 : vector<256x1xf32> to vector<256x256xf32>
    %div3A_869 = arith.divf %sub3A_863, %div3A_868 : vector<256x256xf32>
    %get3A_870 = arith.constant 5 : index
    %get3A_871 = arith.constant 0 : index
    %get3A_872 = arith.constant 0 : index
    %get3A_873 = vector.load %arg16[%get3A_870, %get3A_871, %get3A_872] : memref<6x1x256xf32, #tpu.memory_space<vmem>>, vector<1x1x256xf32>
    %get3A_874 = vector.shape_cast %get3A_873 : vector<1x1x256xf32> to vector<1x256xf32>
    %mul3A_875 = vector.broadcast %get3A_874 : vector<1x256xf32> to vector<256x256xf32>
    %mul3A_876 = arith.mulf %div3A_869, %mul3A_875 : vector<256x256xf32>
    %get3A_877 = arith.constant 5 : index
    %get3A_878 = arith.constant 0 : index
    %get3A_879 = arith.constant 0 : index
    %get3A_880 = vector.load %arg17[%get3A_877, %get3A_878, %get3A_879] : memref<6x1x256xf32, #tpu.memory_space<vmem>>, vector<1x1x256xf32>
    %get3A_881 = vector.shape_cast %get3A_880 : vector<1x1x256xf32> to vector<1x256xf32>
    %add3A_882 = vector.broadcast %get3A_881 : vector<1x256xf32> to vector<256x256xf32>
    %add3A_883 = arith.addf %mul3A_876, %add3A_882 : vector<256x256xf32>
    %add3A_884 = arith.addf %add3A_883, %max3A_738 : vector<256x256xf32>
    %max3A_885 = arith.constant 0.000000e+00 : f32
    %max3A_886 = vector.broadcast %max3A_885 : f32 to vector<256x256xf32>
    %max3A_887 = arith.maximumf %add3A_884, %max3A_886 : vector<256x256xf32>
    %swap3A_888 = arith.constant 0 : index
    %swap3A_889 = arith.constant 0 : index
    %swap3A_890 = vector.load %arg36[%swap3A_888, %swap3A_889] : memref<256x256xf32, #tpu.memory_space<vmem>>, vector<256x256xf32>
    tpu.vector_store %arg36[%swap3A_888, %swap3A_889], %max3A_887 {strides = array<i32>} : memref<256x256xf32, #tpu.memory_space<vmem>>, vector<256x256xf32>,
    %reduce_sum3A_891 = arith.constant dense<0.000000e+00> : vector<256xf32>
    %reduce_sum3A_892 = vector.multi_reduction <add>, %max3A_887, %reduce_sum3A_891 [0] : vector<256x256xf32> to vector<256xf32>
    %broadcast_in_dim3A_893 = vector.shape_cast %reduce_sum3A_892 : vector<256xf32> to vector<1x256xf32>
    %div3A_894 = arith.constant 2.560000e+02 : f32
    %div3A_895 = vector.broadcast %div3A_894 : f32 to vector<1x256xf32>
    %div3A_896 = arith.divf %broadcast_in_dim3A_893, %div3A_895 : vector<1x256xf32>
    %get3A_897 = arith.constant 0 : index
    %get3A_898 = arith.constant 0 : index
    %get3A_899 = vector.load %arg18[%get3A_897, %get3A_898] : memref<256x256xf32, #tpu.memory_space<vmem>>, vector<256x256xf32>
    %convert_element_type3A_900 = arith.truncf %div3A_896 : vector<1x256xf32> to vector<1x256xbf16>
    %convert_element_type3A_901 = arith.truncf %get3A_899 : vector<256x256xf32> to vector<256x256xbf16>
    %dot_general3A_902 = arith.constant dense<0.000000e+00> : vector<1x256xf32>
    %dot_general3A_903 = tpu.matmul %convert_element_type3A_900, %convert_element_type3A_901, %dot_general3A_902 {dimension_numbers = #tpu.dot_dimension_numbers<[1], [0], [0], [1], [0, 0, 1, 1], [], []>, transpose_lhs_hint = false} : vector<1x256xbf16>, vector<256x256xbf16>, vector<1x256xf32> -> vector<1x256xf32>
    %get3A_904 = arith.constant 0 : index
    %get3A_905 = arith.constant 0 : index
    %get3A_906 = vector.load %arg19[%get3A_904, %get3A_905] : memref<1x256xf32, #tpu.memory_space<vmem>>, vector<1x256xf32>
    %add3A_907 = arith.addf %dot_general3A_903, %get3A_906 : vector<1x256xf32>
    %get3A_908 = arith.constant 0 : index
    %get3A_909 = arith.constant 0 : index
    %get3A_910 = vector.load %arg20[%get3A_908, %get3A_909] : memref<512x256xf32, #tpu.memory_space<vmem>>, vector<256x256xf32>
    %convert_element_type3A_911 = arith.truncf %max3A_887 : vector<256x256xf32> to vector<256x256xbf16>
    %convert_element_type3A_912 = arith.truncf %get3A_910 : vector<256x256xf32> to vector<256x256xbf16>
    %dot_general3A_913 = arith.constant dense<0.000000e+00> : vector<256x256xf32>
    %dot_general3A_914 = tpu.matmul %convert_element_type3A_911, %convert_element_type3A_912, %dot_general3A_913 {dimension_numbers = #tpu.dot_dimension_numbers<[1], [0], [0], [1], [0, 0, 1, 1], [], []>, transpose_lhs_hint = false} : vector<256x256xbf16>, vector<256x256xbf16>, vector<256x256xf32> -> vector<256x256xf32>
    %get3A_915 = arith.constant 256 : index
    %get3A_916 = arith.constant 0 : index
    %get3A_917 = vector.load %arg20[%get3A_915, %get3A_916] : memref<512x256xf32, #tpu.memory_space<vmem>>, vector<256x256xf32>
    %convert_element_type3A_918 = arith.truncf %add3A_907 : vector<1x256xf32> to vector<1x256xbf16>
    %convert_element_type3A_919 = arith.truncf %get3A_917 : vector<256x256xf32> to vector<256x256xbf16>
    %dot_general3A_920 = arith.constant dense<0.000000e+00> : vector<1x256xf32>
    %dot_general3A_921 = tpu.matmul %convert_element_type3A_918, %convert_element_type3A_919, %dot_general3A_920 {dimension_numbers = #tpu.dot_dimension_numbers<[1], [0], [0], [1], [0, 0, 1, 1], [], []>, transpose_lhs_hint = false} : vector<1x256xbf16>, vector<256x256xbf16>, vector<1x256xf32> -> vector<1x256xf32>
    %get3A_922 = arith.constant 0 : index
    %get3A_923 = arith.constant 0 : index
    %get3A_924 = vector.load %arg21[%get3A_922, %get3A_923] : memref<1x256xf32, #tpu.memory_space<vmem>>, vector<1x256xf32>
    %add3A_925 = arith.addf %dot_general3A_921, %get3A_924 : vector<1x256xf32>
    %add3A_926 = vector.broadcast %add3A_925 : vector<1x256xf32> to vector<256x256xf32>
    %add3A_927 = arith.addf %dot_general3A_914, %add3A_926 : vector<256x256xf32>
    %max3A_928 = arith.constant 0.000000e+00 : f32
    %max3A_929 = vector.broadcast %max3A_928 : f32 to vector<256x256xf32>
    %max3A_930 = arith.maximumf %add3A_927, %max3A_929 : vector<256x256xf32>
    %get3A_931 = arith.constant 0 : index
    %get3A_932 = arith.constant 0 : index
    %get3A_933 = vector.load %arg22[%get3A_931, %get3A_932] : memref<256x4xf32, #tpu.memory_space<vmem>>, vector<256x4xf32>
    %convert_element_type3A_934 = arith.truncf %max3A_930 : vector<256x256xf32> to vector<256x256xbf16>
    %convert_element_type3A_935 = arith.truncf %get3A_933 : vector<256x4xf32> to vector<256x4xbf16>
    %dot_general3A_936 = arith.constant dense<0.000000e+00> : vector<256x4xf32>
    %dot_general3A_937 = tpu.matmul %convert_element_type3A_934, %convert_element_type3A_935, %dot_general3A_936 {dimension_numbers = #tpu.dot_dimension_numbers<[1], [0], [0], [1], [0, 0, 1, 1], [], []>, transpose_lhs_hint = false} : vector<256x256xbf16>, vector<256x4xbf16>, vector<256x4xf32> -> vector<256x4xf32>
    %get3A_938 = arith.constant 0 : index
    %get3A_939 = arith.constant 0 : index
    %get3A_940 = vector.load %arg23[%get3A_938, %get3A_939] : memref<1x4xf32, #tpu.memory_space<vmem>>, vector<1x4xf32>
    %add3A_941 = vector.broadcast %get3A_940 : vector<1x4xf32> to vector<256x4xf32>
    %add3A_942 = arith.addf %dot_general3A_937, %add3A_941 : vector<256x4xf32>
    %swap3A_943 = arith.constant 0 : index
    %swap3A_944 = arith.constant 0 : index
    %swap3A_945 = vector.load %arg32[%swap3A_943, %swap3A_944] : memref<256x4xf32, #tpu.memory_space<vmem>>, vector<256x4xf32>
    tpu.vector_store %arg32[%swap3A_943, %swap3A_944], %add3A_942 {strides = array<i32>} : memref<256x4xf32, #tpu.memory_space<vmem>>, vector<256x4xf32>,
    %reduce_max3A = arith.constant dense<0xFF800000> : vector<256xf32>
    %reduce_max3A_946 = vector.multi_reduction <maximumf>, %add3A_942, %reduce_max3A [1] : vector<256x4xf32> to vector<256xf32>
    %broadcast_in_dim3A_947 = vector.shape_cast %reduce_max3A_946 : vector<256xf32> to vector<256x1xf32>
    %sub3A_948 = vector.broadcast %broadcast_in_dim3A_947 : vector<256x1xf32> to vector<256x4xf32>
    %sub3A_949 = arith.subf %add3A_942, %sub3A_948 : vector<256x4xf32>
    %exp3A = math.exp %sub3A_949 : vector<256x4xf32>
    %reduce_sum3A_950 = arith.constant dense<0.000000e+00> : vector<256xf32>
    %reduce_sum3A_951 = vector.multi_reduction <add>, %exp3A, %reduce_sum3A_950 [1] : vector<256x4xf32> to vector<256xf32>
    %broadcast_in_dim3A_952 = vector.shape_cast %reduce_sum3A_951 : vector<256xf32> to vector<256x1xf32>
    %div3A_953 = vector.broadcast %broadcast_in_dim3A_952 : vector<256x1xf32> to vector<256x4xf32>
    %div3A_954 = arith.divf %exp3A, %div3A_953 : vector<256x4xf32>
    %swap3A_955 = arith.constant 0 : index
    %swap3A_956 = arith.constant 0 : index
    %swap3A_957 = vector.load %arg33[%swap3A_955, %swap3A_956] : memref<256x4xf32, #tpu.memory_space<vmem>>, vector<256x4xf32>
    tpu.vector_store %arg33[%swap3A_955, %swap3A_956], %div3A_954 {strides = array<i32>} : memref<256x4xf32, #tpu.memory_space<vmem>>, vector<256x4xf32>,
    %get3A_958 = arith.constant 0 : index
    %get3A_959 = arith.constant 0 : index
    %get3A_960 = vector.load %arg24[%get3A_958, %get3A_959] : memref<512x256xf32, #tpu.memory_space<vmem>>, vector<256x256xf32>
    %convert_element_type3A_961 = arith.truncf %max3A_887 : vector<256x256xf32> to vector<256x256xbf16>
    %convert_element_type3A_962 = arith.truncf %get3A_960 : vector<256x256xf32> to vector<256x256xbf16>
    %dot_general3A_963 = arith.constant dense<0.000000e+00> : vector<256x256xf32>
    %dot_general3A_964 = tpu.matmul %convert_element_type3A_961, %convert_element_type3A_962, %dot_general3A_963 {dimension_numbers = #tpu.dot_dimension_numbers<[1], [0], [0], [1], [0, 0, 1, 1], [], []>, transpose_lhs_hint = false} : vector<256x256xbf16>, vector<256x256xbf16>, vector<256x256xf32> -> vector<256x256xf32>
    %get3A_965 = arith.constant 256 : index
    %get3A_966 = arith.constant 0 : index
    %get3A_967 = vector.load %arg24[%get3A_965, %get3A_966] : memref<512x256xf32, #tpu.memory_space<vmem>>, vector<256x256xf32>
    %convert_element_type3A_968 = arith.truncf %add3A_907 : vector<1x256xf32> to vector<1x256xbf16>
    %convert_element_type3A_969 = arith.truncf %get3A_967 : vector<256x256xf32> to vector<256x256xbf16>
    %dot_general3A_970 = arith.constant dense<0.000000e+00> : vector<1x256xf32>
    %dot_general3A_971 = tpu.matmul %convert_element_type3A_968, %convert_element_type3A_969, %dot_general3A_970 {dimension_numbers = #tpu.dot_dimension_numbers<[1], [0], [0], [1], [0, 0, 1, 1], [], []>, transpose_lhs_hint = false} : vector<1x256xbf16>, vector<256x256xbf16>, vector<1x256xf32> -> vector<1x256xf32>
    %get3A_972 = arith.constant 0 : index
    %get3A_973 = arith.constant 0 : index
    %get3A_974 = vector.load %arg25[%get3A_972, %get3A_973] : memref<1x256xf32, #tpu.memory_space<vmem>>, vector<1x256xf32>
    %add3A_975 = arith.addf %dot_general3A_971, %get3A_974 : vector<1x256xf32>
    %add3A_976 = vector.broadcast %add3A_975 : vector<1x256xf32> to vector<256x256xf32>
    %add3A_977 = arith.addf %dot_general3A_964, %add3A_976 : vector<256x256xf32>
    %max3A_978 = arith.constant 0.000000e+00 : f32
    %max3A_979 = vector.broadcast %max3A_978 : f32 to vector<256x256xf32>
    %max3A_980 = arith.maximumf %add3A_977, %max3A_979 : vector<256x256xf32>
    %get3A_981 = arith.constant 0 : index
    %get3A_982 = arith.constant 0 : index
    %get3A_983 = vector.load %arg26[%get3A_981, %get3A_982] : memref<256x1xf32, #tpu.memory_space<vmem>>, vector<256x1xf32>
    %convert_element_type3A_984 = arith.truncf %max3A_980 : vector<256x256xf32> to vector<256x256xbf16>
    %convert_element_type3A_985 = arith.truncf %get3A_983 : vector<256x1xf32> to vector<256x1xbf16>
    %dot_general3A_986 = arith.constant dense<0.000000e+00> : vector<256x1xf32>
    %dot_general3A_987 = tpu.matmul %convert_element_type3A_984, %convert_element_type3A_985, %dot_general3A_986 {dimension_numbers = #tpu.dot_dimension_numbers<[1], [0], [0], [1], [0, 0, 1, 1], [], []>, transpose_lhs_hint = false} : vector<256x256xbf16>, vector<256x1xbf16>, vector<256x1xf32> -> vector<256x1xf32>
    %get3A_988 = arith.constant 0 : index
    %get3A_989 = arith.constant 0 : index
    %get3A_990 = vector.load %arg27[%get3A_988, %get3A_989] : memref<1x1xf32, #tpu.memory_space<vmem>>, vector<1x1xf32>
    %add3A_991 = vector.broadcast %get3A_990 : vector<1x1xf32> to vector<256x1xf32>
    %add3A_992 = arith.addf %dot_general3A_987, %add3A_991 : vector<256x1xf32>
    %jit3A = arith.constant -1.000000e+01 : f32
    %jit3A_993 = arith.constant 1.000000e+01 : f32
    %max3A_994 = vector.broadcast %jit3A : f32 to vector<256x1xf32>
    %max3A_995 = arith.maximumf %max3A_994, %add3A_992 : vector<256x1xf32>
    %min3A = vector.broadcast %jit3A_993 : f32 to vector<256x1xf32>
    %min3A_996 = arith.minimumf %min3A, %max3A_995 : vector<256x1xf32>
    %swap3A_997 = arith.constant 0 : index
    %swap3A_998 = arith.constant 0 : index
    %swap3A_999 = vector.load %arg34[%swap3A_997, %swap3A_998] : memref<256x1xf32, #tpu.memory_space<vmem>>, vector<256x1xf32>
    tpu.vector_store %arg34[%swap3A_997, %swap3A_998], %min3A_996 {strides = array<i32>} : memref<256x1xf32, #tpu.memory_space<vmem>>, vector<256x1xf32>,
    %get3A_1000 = arith.constant 0 : index
    %get3A_1001 = arith.constant 0 : index
    %get3A_1002 = vector.load %arg28[%get3A_1000, %get3A_1001] : memref<768x256xf32, #tpu.memory_space<vmem>>, vector<256x256xf32>
    %convert_element_type3A_1003 = arith.truncf %max3A_887 : vector<256x256xf32> to vector<256x256xbf16>
    %convert_element_type3A_1004 = arith.truncf %get3A_1002 : vector<256x256xf32> to vector<256x256xbf16>
    %dot_general3A_1005 = arith.constant dense<0.000000e+00> : vector<256x256xf32>
    %dot_general3A_1006 = tpu.matmul %convert_element_type3A_1003, %convert_element_type3A_1004, %dot_general3A_1005 {dimension_numbers = #tpu.dot_dimension_numbers<[1], [0], [0], [1], [0, 0, 1, 1], [], []>, transpose_lhs_hint = false} : vector<256x256xbf16>, vector<256x256xbf16>, vector<256x256xf32> -> vector<256x256xf32>
    %get3A_1007 = arith.constant 512 : index
    %get3A_1008 = arith.constant 0 : index
    %get3A_1009 = vector.load %arg28[%get3A_1007, %get3A_1008] : memref<768x256xf32, #tpu.memory_space<vmem>>, vector<256x256xf32>
    %convert_element_type3A_1010 = arith.truncf %add3A_907 : vector<1x256xf32> to vector<1x256xbf16>
    %convert_element_type3A_1011 = arith.truncf %get3A_1009 : vector<256x256xf32> to vector<256x256xbf16>
    %dot_general3A_1012 = arith.constant dense<0.000000e+00> : vector<1x256xf32>
    %dot_general3A_1013 = tpu.matmul %convert_element_type3A_1010, %convert_element_type3A_1011, %dot_general3A_1012 {dimension_numbers = #tpu.dot_dimension_numbers<[1], [0], [0], [1], [0, 0, 1, 1], [], []>, transpose_lhs_hint = false} : vector<1x256xbf16>, vector<256x256xbf16>, vector<1x256xf32> -> vector<1x256xf32>
    %get3A_1014 = arith.constant 0 : index
    %get3A_1015 = arith.constant 0 : index
    %get3A_1016 = vector.load %arg29[%get3A_1014, %get3A_1015] : memref<1x256xf32, #tpu.memory_space<vmem>>, vector<1x256xf32>
    %add3A_1017 = arith.addf %dot_general3A_1013, %get3A_1016 : vector<1x256xf32>
    %add3A_1018 = vector.broadcast %add3A_1017 : vector<1x256xf32> to vector<256x256xf32>
    %add3A_1019 = arith.addf %dot_general3A_1006, %add3A_1018 : vector<256x256xf32>
    %swap3A_1020 = arith.constant 0 : index
    %swap3A_1021 = arith.constant 0 : index
    %swap3A_1022 = vector.load %arg40[%swap3A_1020, %swap3A_1021] : memref<256x256xf32, #tpu.memory_space<vmem>>, vector<256x256xf32>
    tpu.vector_store %arg40[%swap3A_1020, %swap3A_1021], %add3A_1019 {strides = array<i32>} : memref<256x256xf32, #tpu.memory_space<vmem>>, vector<256x256xf32>,
    %get3A_1023 = arith.constant 256 : index
    %get3A_1024 = arith.constant 0 : index
    %get3A_1025 = vector.load %arg28[%get3A_1023, %get3A_1024] : memref<768x256xf32, #tpu.memory_space<vmem>>, vector<256x256xf32>
    %convert_element_type3A_1026 = arith.truncf %max3A_887 : vector<256x256xf32> to vector<256x256xbf16>
    %convert_element_type3A_1027 = arith.truncf %get3A_1025 : vector<256x256xf32> to vector<256x256xbf16>
    %dot_general3A_1028 = arith.constant dense<0.000000e+00> : vector<256x256xf32>
    %dot_general3A_1029 = tpu.matmul %convert_element_type3A_1026, %convert_element_type3A_1027, %dot_general3A_1028 {dimension_numbers = #tpu.dot_dimension_numbers<[1], [0], [0], [1], [0, 0, 1, 1], [], []>, transpose_lhs_hint = false} : vector<256x256xbf16>, vector<256x256xbf16>, vector<256x256xf32> -> vector<256x256xf32>
    %swap3A_1030 = arith.constant 0 : index
    %swap3A_1031 = arith.constant 0 : index
    %swap3A_1032 = vector.load %arg41[%swap3A_1030, %swap3A_1031] : memref<256x256xf32, #tpu.memory_space<vmem>>, vector<256x256xf32>
    tpu.vector_store %arg41[%swap3A_1030, %swap3A_1031], %dot_general3A_1029 {strides = array<i32>} : memref<256x256xf32, #tpu.memory_space<vmem>>, vector<256x256xf32>,
    %get3A_1033 = arith.constant 0 : index
    %get3A_1034 = arith.constant 0 : index
    %get3A_1035 = vector.load %arg30[%get3A_1033, %get3A_1034] : memref<1x256xf32, #tpu.memory_space<vmem>>, vector<1x256xf32>
    %convert_element_type3A_1036 = arith.truncf %get3A_1035 : vector<1x256xf32> to vector<1x256xbf16>
    %convert_element_type3A_1037 = arith.extf %convert_element_type3A_1036 : vector<1x256xbf16> to vector<1x256xf32>
    %get3A_1038 = arith.constant 0 : index
    %get3A_1039 = arith.constant 0 : index
    %get3A_1040 = vector.load %arg31[%get3A_1038, %get3A_1039] : memref<1x1xf32, #tpu.memory_space<vmem>>, vector<1x1xf32>
    %get3A_1041 = vector.extract %get3A_1040[0, 0] : f32 from vector<1x1xf32>
    %scan3A_1042 = arith.constant 0 : i32
    %scan3A_1043 = arith.constant 32 : i32
    %scan3A_1044 = arith.addi %scan3A_1042, %scan3A_1043 : i32
    %scan3A_1045 = arith.constant 1 : i32
    scf.for %scan3A_1047 = %scan3A_1042 to %scan3A_1044 step %scan3A_1045  : i32 {
      %mul3A_1048 = arith.constant 8 : i32
      %mul3A_1049 = arith.muli %scan3A_1047, %mul3A_1048 : i32
      %get3A_1050 = arith.index_cast %mul3A_1049 : i32 to index
      %get3A_1051 = arith.constant 0 : index
      %get3A_1052 = vector.load %arg40[%get3A_1050, %get3A_1051] : memref<256x256xf32, #tpu.memory_space<vmem>>, vector<8x256xf32>
      %broadcast_in_dim3A_1053 = vector.shape_cast %get3A_1052 : vector<8x256xf32> to vector<8x1x256xf32>
      %get3A_1054 = arith.constant 0 : index
      %get3A_1055 = arith.constant 0 : index
      %get3A_1056 = vector.load %arg41[%get3A_1054, %get3A_1055] : memref<256x256xf32, #tpu.memory_space<vmem>>, vector<256x256xf32>
      %broadcast_in_dim3A_1057 = vector.shape_cast %get3A_1056 : vector<256x256xf32> to vector<1x256x256xf32>
      %add3A_1058 = vector.broadcast %broadcast_in_dim3A_1053 : vector<8x1x256xf32> to vector<8x256x256xf32>
      %add3A_1059 = vector.broadcast %broadcast_in_dim3A_1057 : vector<1x256x256xf32> to vector<8x256x256xf32>
      %add3A_1060 = arith.addf %add3A_1058, %add3A_1059 : vector<8x256x256xf32>
      %max3A_1061 = arith.constant 0.000000e+00 : f32
      %max3A_1062 = vector.broadcast %max3A_1061 : f32 to vector<8x256x256xf32>
      %max3A_1063 = arith.maximumf %add3A_1060, %max3A_1062 : vector<8x256x256xf32>
      %convert_element_type3A_1064 = arith.truncf %max3A_1063 : vector<8x256x256xf32> to vector<8x256x256xbf16>
      %convert_element_type3A_1065 = arith.extf %convert_element_type3A_1064 : vector<8x256x256xbf16> to vector<8x256x256xf32>
      %broadcast_in_dim3A_1066 = vector.shape_cast %convert_element_type3A_1037 : vector<1x256xf32> to vector<1x1x256xf32>
      %mul3A_1067 = vector.broadcast %broadcast_in_dim3A_1066 : vector<1x1x256xf32> to vector<8x256x256xf32>
      %mul3A_1068 = arith.mulf %convert_element_type3A_1065, %mul3A_1067 : vector<8x256x256xf32>
      %reduce_sum3A_1069 = arith.constant dense<0.000000e+00> : vector<8x256xf32>
      %reduce_sum3A_1070 = vector.multi_reduction <add>, %mul3A_1068, %reduce_sum3A_1069 [2] : vector<8x256x256xf32> to vector<8x256xf32>
      %add3A_1071 = vector.broadcast %get3A_1041 : f32 to vector<8x256xf32>
      %add3A_1072 = arith.addf %reduce_sum3A_1070, %add3A_1071 : vector<8x256xf32>
      %jit3A_1073 = arith.constant -1.000000e+01 : f32
      %jit3A_1074 = arith.constant 1.000000e+01 : f32
      %max3A_1075 = vector.broadcast %jit3A_1073 : f32 to vector<8x256xf32>
      %max3A_1076 = arith.maximumf %max3A_1075, %add3A_1072 : vector<8x256xf32>
      %min3A_1077 = vector.broadcast %jit3A_1074 : f32 to vector<8x256xf32>
      %min3A_1078 = arith.minimumf %min3A_1077, %max3A_1076 : vector<8x256xf32>
      %swap3A_1079 = arith.index_cast %mul3A_1049 : i32 to index
      %swap3A_1080 = arith.constant 0 : index
      %swap3A_1081 = vector.load %arg35[%swap3A_1079, %swap3A_1080] : memref<256x256xf32, #tpu.memory_space<vmem>>, vector<8x256xf32>
      tpu.vector_store %arg35[%swap3A_1079, %swap3A_1080], %min3A_1078 {strides = array<i32>} : memref<256x256xf32, #tpu.memory_space<vmem>>, vector<8x256xf32>,
    }
    %scan3A_1046 = arith.constant 32 : i32
    return
  }
}

</mosaic_0001>

<sc_bundles>
// kernel: gather_offload_async_start
scs
__scs_entry_jumppad:
0x0: {  	(pc) =	sbr.rel $0x88, $3  }
0x1: {  	(tag) =	ssettag $0x0;
	lr =	simm.s32 $0x1  }
0x2: {  	[smem:$0x3F82] =	sst lr;
	_ =	strace $0xD0000000  }
0x3: {  	_ = 	snop  }
0x4: {  	_ = 	snop  }
0x5: {  	_ = 	snop  }
0x6: {  	_ = 	snop  }
0x7: {  	_ = 	snop  }
__scs_overlays_trampoline_lowered:
0x8: {  	[smem:$0x3F91] =	sst s0  }
0x9: {  	[smem:$0x3F92] =	sst s1  }
0xa: {  	[smem:$0x3F93] =	sst s2  }
0xb: {  	[smem:$0x3F94] =	sst s3  }
0xc: {  	[smem:$0x3F95] =	sst s4  }
0xd: {  	[smem:$0x3F96] =	sst s5  }
0xe: {  	[smem:$0x3F97] =	sst s6  }
0xf: {  	[smem:$0x3F98] =	sst s7  }
0x10: {  	[smem:$0x3F99] =	sst s8  }
0x11: {  	[smem:$0x3F9A] =	sst s9;
	s0 =	simm.s32 @!p0 $0x0  }
0x12: {  	s1 =	sld [smem:$0x3F80];
	s0 =	simm.s32 @p0 $0x1  }
0x13: {  	[smem:$0x3F9B] =	sst s0;
	s0 =	simm.s32 @!p1 $0x0  }
0x14: {  	s2 =	sld [smem:$0x3F7F];
	s0 =	simm.s32 @p1 $0x1  }
0x15: {  	[smem:$0x3F9C] =	sst s0;
	s0 =	simm.s32 @!p2 $0x0  }
0x16: {  	s3 =	sld [smem:$0x3FDB];
	s0 =	simm.s32 @p2 $0x1  }
0x17: {  	s4 =	simm.s32 $0x1BF5;
	[smem:$0x3F9E] =	sst s0  }
0x18: {  	s0 =	sld [smem:$0x3F81];
	_ =	swait.ge [sflag:s4], $0x0  }
0x19: {  	s7 =	sld [smem:$0x3F82]  }
0x1a: {  	s8 =	sadd.s32 $0xFFFFE003, lr  }
0x1b: {  	s9 =	sadd.s32 $0xFFFFFEF7, lr;
	s5 =	simm.s32 $0xFFFFFFFF;
	p2 =	slt.u32 s8, $0xFFFFF086  }
0x1c: {  	p1 =	slt.u32 s9, $0xF7A;
	s5 =	simm.s32 @!p2 $0x0  }
0x1d: {  	s5 =	simm.s32 @p1 $0x1;
	p0 =	seq.s32 s7, s2  }
0x1e: {  	s7 =	smul.u32 @!p0 $0xF7A, s2;
	p2 =	seq.s32 @!p0 s5, $0x0  }
0x1f: {  	s9 =	smul.u32 $0xF7A, s1;
	s8 =	simm.s32 @!p0 $0x1BF5;
	p2 =	por !p2, p0  }
0x20: {  	[sflag:s8] =	ssyncset.s32 @!p0 $0xFFFFF086;
	s6 =	sadd.s32 @!p0 s3, s7;
	s7 =	simm.s32 @!p0 $0x108  }
0x21: {  	s3 =	sadd.s32 s3, s9;
	s6 =	sadd.s32 @!p0 $0x88, s6;
	s7 =	simm.s32 @p2 $0x1082  }
0x22: {  	[simem:s7], [sflag:s8] =	dma.local @!p0 [hbm:s6], $0xF7A  }
0x23: {  	s9 =	sor.u32 $0xD0000000, s2;
	s6 =	simm.s32 $0x108;
	_ =	swait.ge @!p0 [sflag:s8], $0x0  }
0x24: {  	s3 =	sadd.s32 $0x88, s3;
	s6 =	simm.s32 @!p1 $0x1082;
	[sflag:s4] =	ssyncset.s32 $0xFFFFF086  }
0x25: {  	[simem:s6], [sflag:s4] =	dma.local [hbm:s3], $0xF7A  }
0x26: {  	[smem:$0x3F82] =	sst s1;
	(tag) =	ssettag s2;
	_ =	strace s9  }
0x27: {  	s1 =	sld [smem:$0x3F92]  }
0x28: {  	s2 =	sld [smem:$0x3F93]  }
0x29: {  	s4 =	sld [smem:$0x3F95]  }
0x2a: {  	p0 =	seq.s32 s5, $0x0;
	s5 =	sld [smem:$0x3F96]  }
0x2b: {  	s6 =	sld [smem:$0x3F97]  }
0x2c: {  	s7 =	sld [smem:$0x3F98]  }
0x2d: {  	s3 =	simm.s32 $0x108;
	s8 =	sld [smem:$0x3F99]  }
0x2e: {  	s3 =	simm.s32 @!p0 $0x1082;
	s9 =	sld [smem:$0x3F9A]  }
0x2f: {  	lr =	sadd.s32 s0, s3;
	s0 =	sld [smem:$0x3F91]  }
0x30: {  	s3 =	sld [smem:$0x3F94]  }
0x31: {  	[smem:$0x3F9D] =	sst s10  }
0x32: {  	s10 =	sld [smem:$0x3F9B];
	_ =	sdelay $0x3  }
0x33: {  	p0 =	seq.s32 s10, $0x1;
	s10 =	sld [smem:$0x3F9D];
	_ =	sdelay $0x3  }
0x34: {  	[smem:$0x3F9D] =	sst s10  }
0x35: {  	s10 =	sld [smem:$0x3F9C];
	_ =	sdelay $0x3  }
0x36: {  	p1 =	seq.s32 s10, $0x1;
	s10 =	sld [smem:$0x3F9D];
	_ =	sdelay $0x3  }
0x37: {  	[smem:$0x3F9D] =	sst s10  }
0x38: {  	s10 =	sld [smem:$0x3F9E]  }
0x39: {  	_ = 	snop;
	(pc) =	sbr.ind lr, $3  }
0x3a: {  	_ = 	snop  }
0x3b: {  	_ = 	snop  }
0x3c: {  	p2 =	seq.s32 s10, $0x1;
	s10 =	sld [smem:$0x3F9D]  }
0x3d: {  	_ =	shalt  }
0x3e: {  	_ =	shalt  }
0x3f: {  	_ =	shalt  }
0x40: {  	_ =	shalt  }
0x41: {  	_ =	shalt  }
0x42: {  	_ =	shalt  }
0x43: {  	_ =	shalt  }
0x44: {  	_ =	shalt  }
0x45: {  	_ =	shalt  }
0x46: {  	_ =	shalt  }
0x47: {  	_ =	shalt  }
0x48: {  	_ =	shalt  }
0x49: {  	_ =	shalt  }
0x4a: {  	_ =	shalt  }
0x4b: {  	_ =	shalt  }
0x4c: {  	_ =	shalt  }
0x4d: {  	_ =	shalt  }
0x4e: {  	_ =	shalt  }
0x4f: {  	_ =	shalt  }
0x50: {  	_ =	shalt  }
0x51: {  	_ =	shalt  }
0x52: {  	_ =	shalt  }
0x53: {  	_ =	shalt  }
0x54: {  	_ =	shalt  }
0x55: {  	_ =	shalt  }
0x56: {  	_ =	shalt  }
0x57: {  	_ =	shalt  }
0x58: {  	_ =	shalt  }
0x59: {  	_ =	shalt  }
0x5a: {  	_ =	shalt  }
0x5b: {  	_ =	shalt  }
0x5c: {  	_ =	shalt  }
0x5d: {  	_ =	shalt  }
0x5e: {  	_ =	shalt  }
0x5f: {  	_ =	shalt  }
0x60: {  	_ =	shalt  }
0x61: {  	_ =	shalt  }
0x62: {  	_ =	shalt  }
0x63: {  	_ =	shalt  }
0x64: {  	_ =	shalt  }
0x65: {  	_ =	shalt  }
0x66: {  	_ =	shalt  }
0x67: {  	_ =	shalt  }
0x68: {  	_ =	shalt  }
0x69: {  	_ =	shalt  }
0x6a: {  	_ =	shalt  }
0x6b: {  	_ =	shalt  }
0x6c: {  	_ =	shalt  }
0x6d: {  	_ =	shalt  }
0x6e: {  	_ =	shalt  }
0x6f: {  	_ =	shalt  }
0x70: {  	_ =	shalt  }
0x71: {  	_ =	shalt  }
0x72: {  	_ =	shalt  }
0x73: {  	_ =	shalt  }
0x74: {  	_ =	shalt  }
0x75: {  	_ =	shalt  }
0x76: {  	_ =	shalt  }
0x77: {  	_ =	shalt  }
0x78: {  	_ =	shalt  }
0x79: {  	_ =	shalt  }
0x7a: {  	_ =	shalt  }
0x7b: {  	_ =	shalt  }
0x7c: {  	_ =	shalt  }
0x7d: {  	_ =	shalt  }
0x7e: {  	_ =	shalt  }
0x7f: {  	_ =	shalt  }
0x80: {  	_ =	shalt  }
0x81: {  	_ =	shalt  }
0x82: {  	_ =	shalt  }
0x83: {  	_ =	shalt  }
0x84: {  	_ =	shalt  }
0x85: {  	_ =	shalt  }
0x86: {  	_ =	shalt  }
0x87: {  	_ =	shalt  }
.Lfunc_end0:
.L_simem_size_0:
called_computation_lowered:
.L_overlay_start_0:
0x88: {  	s2 =	sld [smem:$0x3FD9]  }
0x89: {  	s3 =	sld [smem:$0x3FFE];
	_ =	sdelay $0x1  }
0x8a: {  	s1 =	srdreg.scid  }
0x8b: {  	s0 =	sand.u32 $0x1, s1  }
0x8c: {  	s14 =	sshll.u32 s0, $0xA;
	s2 =	sadd.s32 s3, s2  }
0x8d: {  	s2 =	sadd.s32 s2, s14  }
0x8e: {  	[smem:$0x3FA9] =	sst s2  }
0x8f: {  	_ = 	snop  }
0x90: {  	s2 =	sld [smem:$0x3FD0];
	_ =	sdelay $0x2  }
0x91: {  	s15 =	simm.s32 $0xA;
	s4 =	simm.s32 $0x10  }
0x92: {  	[smem:s4], [sflag:s15] =	dma.local [hbm:s2], $0x1  }
0x93: {  	_ =	swait.eq [sflag:s15], $0x1  }
0x94: {  	[sflag:s15] =	ssyncset.done $0x0  }
0x95: {  	[sflag:s15] =	ssyncadd.s32 $0xFFFFFFFF  }
0x96: {  	s16 =	sld [smem:$0x13];
	(tm) =	ssettm $0x1  }
0x97: {  	s17 =	sld [smem:$0x3FFB];
	_ =	sdelay $0x3  }
0x98: {  	_ =	strace s17  }
0x99: {  	s3 =	sld [smem:$0x3FFC];
	_ =	sdelay $0x3  }
0x9a: {  	_ =	strace s3  }
0x9b: {  	s3 =	sld [smem:$0x3FFD];
	_ =	sdelay $0x3  }
0x9c: {  	_ =	strace s3  }
0x9d: {  	_ =	strace $0x8FFFFFFF  }
0x9e: {  	s18 =	sld [smem:$0x3FDB];
	_ =	sdelay $0x1  }
0x9f: {  	s19 =	simm.s32 $_scs_section_size  }
0xa0: {  	s5 =	simm.s32 $_size__tile_overlayer_lowered;
	s6 =	simm.s32 $_tile_overlayer_lowered  }
0xa1: {  	s22 =	simm.s32 $0x1BFF;
	s21 =	sshll.u32 s6, $0x1;
	s3 =	sadd.s32 s19, s18  }
0xa2: {  	s7 =	simm.s32 $0x0;
	s20 =	sshll.u32 s5, $0x1;
	s5 =	sadd.s32 s21, s3  }
0xa3: {  	[timem:s7], [sflag:s22] =	dma.local [hbm:s5], s20  }
0xa4: {  	_ =	swait.ge [sflag:s22], s20  }
0xa5: {  	s4 =	ssub.s32 $0x0, s20;
	[sflag:s22] =	ssyncset.done $0x0  }
0xa6: {  	[sflag:s22] =	ssyncadd.s32 s4;
	_ =	sdelay $0x1  }
0xa7: {  	s23 =	simm.s32 $0x1B8B  }
0xa8: {  	_ =	swait.ge [sflag:s23], $0x1  }
0xa9: {  	[sflag:s23] =	ssyncset.done $0x0  }
0xaa: {  	s25 =	simm.s32 $0x1B8E;
	s24 =	sld [smem:$0x3FFE];
	[sflag:s23] =	ssyncadd.s32 $0xFFFFFFFF  }
0xab: {  	s26 =	simm.s32 $execute0_lowered;
	[smem:$0x3FD2] =	sst s25  }
0xac: {  	s5 =	sshll.u32 s26, $0x1;
	_ =	strace $0x80000046;
	[dreg:$0x1] =	wrdreg $0xFFFFFFFF  }
0xad: {  	s28 =	simm.s32 $_size_execute0_lowered;
	s3 =	sadd.s32 s3, s5;
	[dreg:$0x0] =	wrdreg $0x0  }
0xae: {  	s5 =	sshll.u32 s28, $0x1;
	[dreg:$0x2] =	wrdreg s3  }
0xaf: {  	[dreg:$0x3] =	wrdreg s5  }
0xb0: {  	[dreg:$0x4] =	wrdreg $0xC0  }
0xb1: {  	_ =	task [dreg:s7], $0x5FFFF  }
0xb2: {  	[dreg:$0x1] =	wrdreg $0xFFFFFFFF  }
0xb3: {  	[dreg:$0x0] =	wrdreg $0x60  }
0xb4: {  	[dreg:$0x2] =	wrdreg s24  }
0xb5: {  	[dreg:$0x3] =	wrdreg s16  }
0xb6: {  	[dreg:$0x4] =	wrdreg $0x9  }
0xb7: {  	_ =	task.clear_ibuf [dreg:s7], $0x5FFFF;
	_ =	strace $0x90000046  }
0xb8: {  	s29 =	simm.s32 $0x9;
	_ =	strace $0x80000048  }
0xb9: {  	_ =	swait.ge [sflag:s29], $0x1  }
0xba: {  	[sflag:s29] =	ssyncadd.s32 $0xFFFFFFFF  }
0xbb: {  	_ =	strace $0x90000048  }
0xbc: {  	_ =	sfence  }
0xbd: {  	s30 =	sld [smem:$0x0];
	_ =	sdelay $0x2  }
0xbe: {  	s31 =	sshll.u32 s1, $0xD;
	s1 =	sshrl.u32 s1, $0x2  }
0xbf: {  	s3 =	sand.u32 $0x4000, s31;
	s1 =	sadd.s32 s1, s30  }
0xc0: {  	s0 =	sor.u32 s3, s0;
	s1 =	sshll.u32 s1, $0x11  }
0xc1: {  	s0 =	sor.u32 s1, s0  }
0xc2: {  	s0 =	sadd.s32 $0x8F2B, s0  }
0xc3: {  	[sflag:s0] =	ssyncadd.remote.s32 $0x1  }
0xc4: {  	_ =	sfence.sel $0xFFFF  }
0xc5: {  	[dreg:$0x0] =	wrdreg $0xFFFFFFFF;
	(pc) =	sbr.abs _section_cstart, $3  }
0xc6: {  	[dreg:$0x1] =	wrdreg $0xFFFFFFFF  }
0xc7: {  	_ =	task.clear_ibuf [dreg:s7], $0x2FFFF;
	_ =	strace $0x9FFFFFFF  }
0xc8: {  	(tm) =	ssettm $0x7FFFFFFF  }
0xc9: {  	_ =	shalt  }
tec
execute0_lowered:
.L_overlay_start_1:
0x0: {  	(tag) =	ssettag $0x1  }
0x1: {  	s8 =	rddreg [dreg:$0x0];
	s0 =	stileid.u32  }
0x2: {  	s1 =	srdreg.scid;
	s2 =	rddreg [dreg:$0x1]  }
0x3: {  	s5 =	simm.s32 $0x1;
	s9 =	simm.s32 $0x1;
	s10 =	simm.s32 $0x3  }
0x4: {  	s13 =	simm.s32 $0x0;
	s3 =	sand.u32 $0x1, s1;
	s4 =	sshll.u32 s0, $0x1  }
0x5: {  	s12 =	simm.s32 $0x0;
	s1 =	rddreg [dreg:$0x2];
	s6 =	sor.u32 s4, s3  }
0x6: {  	_ =	strace $0x80000047;
	s3 =	sadd.s32 $0x4800, s8;
	s4 =	smul.u32 $0x780, s6  }
0x7: {  	[sflag:s5] =	ssyncpa.u1 $0x0;
	p0 =	slt.u32 s6, $0x3;
	s6 =	simm.s32 $0xF000  }
.Ltmp0:
0x8: {  	s6 =	simm.s32 @!p0 $0x0;
	s7 =	ssub.s32 $0xFF00, s4;
	(pc) =	sbr.rel .LBB2_1-.Ltmp0, $4  }
0x9: {  	s9 =	simm.s32 @!p0 $0x0;
	p0 =	sne.s32 s7, s6;
	s7 =	simm.s32 $0x1  }
0xa: {  	s8 =	sadd.s32 $0x6800, s8;
	s6 =	simm.s32 $0x2;
	s7 =	simm.s32 @!p0 $0x0  }
0xb: {  	s11 =	smov.u32 s4;
	[sflag:s6] =	ssyncpa.u1 $0x0;
	s7 =	sadd.s32 s9, s7  }
0xc: {  	vm0 =	vmmov $0xffff;
	[sflag:s10] =	ssyncpa.u1 $0x0;
	s10 =	simm.s32 $0x0;
	s9 =	sadd.s32 $0x1, s7  }
.LBB2_4:
0xd: {  	v2 =	vnsel vm1, $0x0, v2  }
0xe: {  	vm1 =	vgt.s32 v0, $0x0;
	v2 =	vmin.u32 v2, $0xFFFF  }
0xf: {  	v0 =	vnsel vm1, $0x0, v0  }
0x10: {  	v0 =	vmin.u32 v0, $0xFFFF  }
0x11: {  	[tilespmem:s18], [sflag:$0x1] =	stream.indirect_vreg.gather [hbm4b:s3+s10], $0x1, v1, vm0, $0x4038;
	[tilespmem:$0x1E00] =	vst v63  }
0x12: {  	(ifvalue) =	ssetifvalue $0x7FFFFFFF  }
0x13: {  	[tilespmem:s15], [sflag:$0x1] =	stream.indirect_vreg.gather [hbm4b:s3+s10], $0x1, v2, vm0, $0x4038;
	[tilespmem:$0x1E00] =	vst v63  }
0x14: {  	s29 =	sadd.s32 $0x10, s15;
	(ifvalue) =	ssetifvalue $0x7FFFFFFF  }
0x15: {  	[tilespmem:s29], [sflag:$0x1] =	stream.indirect_vreg.gather [hbm4b:s3+s10], $0x1, v0, vm0, $0x4038;
	[tilespmem:$0x1E00] =	vst v63  }
0x16: {  	_ =	swait.ge [sflag:s5], $0x780  }
0x17: {  	s30 =	sshrl.u32 s13, $0x3;
	[sflag:s5] =	ssyncset.done $0x0  }
0x18: {  	s31 =	sand.u32 $0x7, s13;
	s15 =	sadd.s32 s2, s30;
	[sflag:s5] =	ssyncadd.s32 $0xFFFFF880  }
0x19: {  	[hbm4b:s15+s31] =	stream.linear.scatter [tilespmem:s14], [sflag:$0x3], $0x780, $0x38;
	[tilespmem:$0x1E00] =	vst v63  }
.LBB2_5:
0x1a: {  	s15 =	sadd.s32 $0xF000, s11  }
0x1b: {  	p1 =	sgt.s32 s15, $0xFEFF  }
0x1c: {  	s15 =	smov.u32 @p1 s4;
	p1 =	sne.s32 s12, s9  }
.Ltmp1:
0x1d: {  	p0 =	slt.u32 s12, $0x2;
	(pc) =	sbr.rel @!p1 .LBB2_6-.Ltmp1, $4  }
0x1e: {  	s14 =	simm.s32 @!p0 $0x3  }
0x1f: {  	_ =	swait.ge @!p0 [sflag:s14], $0x780  }
0x20: {  	s16 =	sadd.s32 $0x1, s12;
	s13 =	smov.u32 s11;
	[sflag:s14] =	ssyncset.done @!p0 $0x0  }
0x21: {  	s12 =	smov.u32 s16;
	s11 =	smov.u32 s15;
	[sflag:s14] =	ssyncadd.s32 @!p0 $0xFFFFF880  }
.LBB2_1:
0x22: {  	p0 =	sge.u32 s12, s7  }
0x23: {  	s14 =	sxor.u32 @!p0 $0x1, s12  }
0x24: {  	s14 =	smul.u32 @!p0 $0x1E00, s14  }
0x25: {  	s31 =	sadd.s32 $0xFFFFFFFF, s12;
	s15 =	sshrl.u32 @!p0 s11, $0x3  }
0x26: {  	s16 =	sand.u32 @!p0 $0x7, s11;
	s15 =	sadd.s32 @!p0 s8, s15;
	s14 =	sshra.s32 @!p0 s14, $0x2  }
0x27: {  	[tilespmem:s14], [sflag:$0x2] =	stream.linear.gather @!p0 [hbm4b:s15+s16], $0x780, $0x38;
	[tilespmem:$0x1E00] =	vst v63  }
0x28: {  	p0 =	sge.u32 s31, s7  }
.Ltmp2:
0x29: {  	_ = 	snop;
	(pc) =	sbr.rel @p0 .LBB2_5-.Ltmp2, $1  }
0x2a: {  	_ =	sdelay $0x3  }
0x2b: {  	s14 =	sand.u32 $0x1, s12  }
0x2c: {  	_ =	swait.ge [sflag:s6], $0x780;
	p0 =	seq.s32 s14, $0x1;
	s14 =	simm.s32 $0x780  }
0x2d: {  	[sflag:s6] =	ssyncset.done $0x0;
	s14 =	simm.s32 @!p0 $0x0  }
0x2e: {  	[sflag:s6] =	ssyncadd.s32 $0xFFFFF880;
	(ifvalue) =	ssetifvalue $0x7FFFFFFF;
	v0 =	vld.msk [tilespmem:s14+$0x0 ss:$0x1], $0xffff;
	_ =	sdelay $0x4  }
0x2f: {  	s15 =	sadd.s32 $0x10, s14;
	vm1 =	vgt.s32 v0, $0x0  }
0x30: {  	v2 =	vld.msk [tilespmem:s15+$0x0 ss:$0x1], $0xffff;
	v1 =	vnsel vm1, $0x0, v0  }
0x31: {  	v1 =	vmin.u32 v1, $0xFFFF;
	_ =	sdelay $0x2  }
0x32: {  	s17 =	simm.s32 $0x20;
	s14 =	sadd.s32 $0xF00, s14;
	s16 =	sadd.s32 $0x10, s15  }
0x33: {  	s15 =	sadd.s32 $0x10, s14;
	s18 =	smov.u32 s14;
	v0 =	vld.msk [tilespmem:s16+$0x0 ss:$0x1], $0xffff;
	vm1 =	vgt.s32 v2, $0x0;
	(ifvalue) =	ssetifvalue $0x7FFFFFFF  }
.LBB2_3:
0x34: {  	[tilespmem:s18], [sflag:$0x1] =	stream.indirect_vreg.gather [hbm4b:s3+s10], $0x1, v1, vm0, $0x4038;
	[tilespmem:$0x1E00] =	vst v63  }
0x35: {  	s17 =	sadd.s32 $0x10, s17  }
0x36: {  	v2 =	vnsel vm1, $0x0, v2;
	p0 =	slt.u32 s17, $0x770  }
.Ltmp3:
0x37: {  	s18 =	smov.u32 s15;
	v1 =	vmin.u32 v2, $0xFFFF;
	(pc) =	sbr.rel @p0 .LBB2_3-.Ltmp3, $3  }
0x38: {  	_ =	sdelay $0x1  }
0x39: {  	s16 =	sadd.s32 $0x10, s16  }
0x3a: {  	vm1 =	vgt.s32 v0, $0x0;
	s15 =	sadd.s32 $0x10, s15;
	v2 =	vmov v0;
	(ifvalue) =	ssetifvalue $0x7FFFFFFF;
	v0 =	vld.msk [tilespmem:s16+$0x0 ss:$0x1], $0xffff  }
.Ltmp4:
0x3b: {  	_ = 	snop;
	(pc) =	sbr.rel .LBB2_4-.Ltmp4, $1  }
0x3c: {  	_ =	sdelay $0x3  }
.LBB2_6:
0x3d: {  	_ =	sfence.sel $0x180000  }
0x3e: {  	s2 =	simm.s32 $0x2;
	[bflag:$0x0] =	sbarrier.arrive $0xFFFF  }
0x3f: {  	s30 =	simm.s32 $0x3;
	[sflag:s2] =	ssyncpa.u1 $0x1  }
0x40: {  	s31 =	simm.s32 $0x1;
	[sflag:s30] =	ssyncpa.u1 $0x1  }
0x41: {  	[sflag:s31] =	ssyncpa.u1 $0x1  }
0x42: {  	p0 =	sne.s32 s0, $0x0;
	_ =	strace $0x90000047  }
0x43: {  	s0 =	sadd.s32 @!p0 $0x100000, s1;
	[bflag:$0x2] =	sbarrier.arrive $0xFFFF  }
0x44: {  	[sflag:s0] =	ssyncadd.tile.s32 @!p0 $0x1;
	_ =	shalt  }
.Lfunc_end2:
_tile_overlayer_lowered:
.L_overlay_start_2:
0x45: {  	(tag) =	ssettag $0x2  }
0x46: {  	s0 =	rddreg [dreg:$0x0];
	s2 =	stileid.u32  }
0x47: {  	s1 =	rddreg [dreg:$0x1];
	p0 =	sne.s32 s2, $0x0  }
0x48: {  	s3 =	rddreg [dreg:$0x2];
	[bflag:$0x3] =	sbarrier.arrive $0xFFFF;
	s2 =	simm.s32 @!p0 $0x1C01  }
0x49: {  	[timem:s3], [sflag:s2] =	dma.local @!p0 [hbm:s0], s1  }
0x4a: {  	s0 =	simm.s32 @!p0 $0x1  }
0x4b: {  	_ =	swait.ge @!p0 [sflag:s0], s1  }
0x4c: {  	s1 =	ssub.s32 @!p0 $0x0, s1;
	[sflag:s0] =	ssyncset.done @!p0 $0x0  }
0x4d: {  	[sflag:s0] =	ssyncadd.s32 @!p0 s1  }
0x4e: {  	[bflag:$0x3] =	sbarrier.arrive $0xFFFF  }
0x4f: {  	_ =	shalt  }

</sc_bundles>
